<compile_context>
chip_gen: v7x
topology: tpu7x:2x2x1
jax: 0.10.2.dev20260603
libtpu: 0.0.44.dev20260713+nightly
codegen_flags: <defaults>
</compile_context>

<pallas_src>
import functools

import jax
import jax.numpy as jnp
from jax import lax
from jax.experimental import pallas as pl
from jax.experimental.pallas import tpu as pltpu
from jax.experimental.pallas import tpu_sc as plsc

_NUM_EXPERTS = 64
_TOKENS = 8192
_TOP_P = 0.8
_AUX_LOSS_COEF = 0.01

_NC = 2
_NS = 16
_L = 16
_NW = _NC * _NS
_TPW = _TOKENS // _NW
_KV = _NUM_EXPERTS // _L


def _merge16(a, b):
  rb = lax.rev(b, (0,))
  lo = jnp.minimum(a, rb)
  hi = jnp.maximum(a, rb)
  return lax.sort(lo), lax.sort(hi)


def _merge32(a0, a1, b0, b1):
  rb0 = lax.rev(b1, (0,))
  rb1 = lax.rev(b0, (0,))
  lo0 = jnp.minimum(a0, rb0)
  lo1 = jnp.minimum(a1, rb1)
  hi0 = jnp.maximum(a0, rb0)
  hi1 = jnp.maximum(a1, rb1)
  m0 = jnp.minimum(lo0, lo1)
  m1 = jnp.maximum(lo0, lo1)
  m2 = jnp.minimum(hi0, hi1)
  m3 = jnp.maximum(hi0, hi1)
  return lax.sort(m0), lax.sort(m1), lax.sort(m2), lax.sort(m3)


def _sort64(v):
  s = [lax.sort(x) for x in v]
  a0, a1 = _merge16(s[0], s[1])
  b0, b1 = _merge16(s[2], s[3])
  return _merge32(a0, a1, b0, b1)


def _token_step(lg_v, t, accs):
  off = t * _NUM_EXPERTS
  u = [jnp.exp(lg_v[pl.ds(off + k * _L, _L)]) for k in range(_KV)]
  s_tot = jnp.sum(u[0] + u[1] + u[2] + u[3])
  r = _sort64(u)
  t0 = jnp.sum(r[0])
  t1 = jnp.sum(r[1])
  t2 = jnp.sum(r[2])
  c0 = plsc.cumsum(r[0])
  c1 = plsc.cumsum(r[1]) + t0
  c2 = plsc.cumsum(r[2]) + (t0 + t1)
  c3 = plsc.cumsum(r[3]) + (t0 + t1 + t2)
  thr = (1.0 - _TOP_P) * s_tot
  big = jnp.full((_L,), 3.0e38, jnp.float32)
  cand = jnp.minimum(
      jnp.minimum(jnp.where(c0 >= thr, r[0], big),
                  jnp.where(c1 >= thr, r[1], big)),
      jnp.minimum(jnp.where(c2 >= thr, r[2], big),
                  jnp.where(c3 >= thr, r[3], big)))
  tau = jnp.min(cand)
  rinv = jnp.ones((_L,), jnp.float32) / s_tot
  new = []
  for k in range(_KV):
    cnt, sw = accs[2 * k], accs[2 * k + 1]
    new.append(cnt + jnp.where(u[k] >= tau, 1.0, 0.0))
    new.append(sw + u[k] * rinv)
  return tuple(new)


def _two_token_step(lg_v, i, accs):
  mid = _token_step(lg_v, 2 * i, accs)
  return _token_step(lg_v, 2 * i + 1, mid)


def _sc_body(lg_hbm, out_hbm, lg_v, st_v):
  wid = lax.axis_index("s") * _NC + lax.axis_index("c")
  base = wid * _TPW * _NUM_EXPERTS
  pltpu.sync_copy(lg_hbm.at[pl.ds(base, _TPW * _NUM_EXPERTS)], lg_v)

  zero = jnp.zeros((_L,), jnp.float32)
  init = tuple(zero for _ in range(2 * _KV))
  accs = lax.fori_loop(0, _TPW // 2,
                       functools.partial(_two_token_step, lg_v), init)

  for k in range(_KV):
    st_v[k, :] = accs[2 * k]
    st_v[_KV + k, :] = accs[2 * k + 1]
  pltpu.sync_copy(st_v, out_hbm.at[wid])


def _sc_partials(gate_logits_flat):
  mesh = plsc.VectorSubcoreMesh(
      core_axis_name="c", subcore_axis_name="s",
      num_cores=_NC, num_subcores=_NS)
  kfn = pl.kernel(
      _sc_body,
      out_type=jax.ShapeDtypeStruct((_NW, 2 * _KV, _L), jnp.float32),
      mesh=mesh,
      scratch_types=[
          pltpu.VMEM((_TPW * _NUM_EXPERTS,), jnp.float32),
          pltpu.VMEM((2 * _KV, _L), jnp.float32),
      ],
      compiler_params=pltpu.CompilerParams(needs_layout_passes=False),
  )
  return kfn(gate_logits_flat)


def _finish_body(p_ref, o_ref):
  p = p_ref[...]
  cnt = jnp.sum(p[:, :_KV, :], axis=0)
  sw = jnp.sum(p[:, _KV:, :], axis=0)
  scale = _AUX_LOSS_COEF * _NUM_EXPERTS / float(_TOKENS) / float(_TOKENS)
  o_ref[...] = (jnp.sum(cnt * sw) * scale).reshape(1, 1)


def _finish(partials):
  return pl.pallas_call(
      _finish_body,
      out_shape=jax.ShapeDtypeStruct((1, 1), jnp.float32),
  )(partials)


@jax.jit
def kernel(gate_logits, attention_mask):
  del attention_mask
  partials = _sc_partials(gate_logits.reshape(-1))
  return _finish(partials)[0, 0]

# --- scband reference (transcript-rebuilt; emitter-appended) ---
"""Pipeline reference for scband-dynamic-router-loss-72353019068892 (READ-ONLY COPY).

The authoritative reference and input builder live on the scoring server;
editing this copy changes nothing except your own understanding.
"""

import jax, jax.numpy as jnp
import numpy as np

NUM_EXPERTS = 64
TOP_P = 0.8
TEMPERATURE = 0.0
AUX_LOSS_COEF = 0.01


def setup_inputs(seed: int = 0) -> dict:
    key = jax.random.key(seed)
    k1, k2 = jax.random.split(key)
    gate_logits = jax.random.normal(k1, (8192, NUM_EXPERTS), dtype=jnp.float32)
    attention_mask = jnp.ones((4, 2048), dtype=jnp.float32)
    return {"gate_logits": gate_logits, "attention_mask": attention_mask}


def _dynamic_top_p(routing_weights, top_p, temperature):
    if temperature > 0.0:
        routing_weights = routing_weights / temperature
    # descending sort of the (softmaxed) routing weights, as in the torch code
    order = jnp.argsort(-routing_weights, axis=-1)
    sorted_w = jnp.take_along_axis(routing_weights, order, axis=-1)
    cumulative_probs = jnp.cumsum(sorted_w, axis=-1)
    expert_mask = cumulative_probs > top_p
    threshold_indices = jnp.argmax(expert_mask.astype(jnp.int32), axis=-1)
    E = routing_weights.shape[-1]
    threshold_mask = jnp.arange(E)[None, :] == threshold_indices[:, None]
    expert_mask = expert_mask & (~threshold_mask)
    sorted_w = jnp.where(expert_mask, 0.0, sorted_w)
    sorted_idx = jnp.where(expert_mask, -1, order)
    return sorted_w, sorted_idx


def _dynamic_load_balancing_loss(routing_weights, num_experts, top_p, temperature):
    _, selected_experts = _dynamic_top_p(routing_weights, top_p, temperature)
    # torch builds expert_mask[i, s, t] = (selected[t, s] == i), then permute(2,1,0)
    # -> mask[t, s, i] = (selected_experts[t, s] == i)
    big = (selected_experts[:, :, None] == jnp.arange(num_experts)[None, None, :]).astype(jnp.float32)
    tokens_per_expert = jnp.mean(big, axis=0)  # [E_slots, E]
    router_prob_per_expert = jnp.mean(routing_weights, axis=0)  # [E]
    overall_loss = jnp.sum(tokens_per_expert * router_prob_per_expert[None, :])
    return overall_loss * num_experts


def reference(gate_logits, attention_mask):
    routing_weights = jax.nn.softmax(gate_logits, axis=-1)
    loss = _dynamic_load_balancing_loss(routing_weights, NUM_EXPERTS, TOP_P, TEMPERATURE)
    return AUX_LOSS_COEF * loss

if __name__ == "__main__":
    import jax
    _d = setup_inputs()
    print(jax.jit(kernel)(*tuple(_d.values())))

</pallas_src>

<mosaic_0001>
#map = affine_map<(d0, d1) -> (0)>
#map1 = affine_map<(d0, d1) -> (0, 0, 0)>
module attributes {stable_mosaic.version = 14 : i64} {
  func.func @_sc_body(%arg0: i32, %arg1: i32, %arg2: memref<524288xf32, #tpu.memory_space<hbm>>, %arg3: memref<32x8x16xf32, #tpu.memory_space<hbm>>, %arg4: memref<16384xf32, #tpu.memory_space<vmem>>, %arg5: memref<8x16xf32, #tpu.memory_space<vmem>>) attributes {dimension_semantics = [#tpu.dimension_semantics<core_parallel>, #tpu.dimension_semantics<subcore_parallel>], iteration_bounds = array<i64: 2, 16>, scalar_prefetch = 0 : i64, scratch_operands = 2 : i64, tpu.core_type = #tpu.core_type<sc_vector_subcore>, window_params = [{transform_indices = #map}, {transform_indices = #map1}]} {
    %mul3A = arith.constant 2 : i32
    %mul3A_0 = arith.muli %arg1, %mul3A : i32
    %add3A = arith.addi %mul3A_0, %arg0 : i32
    %mul3A_1 = arith.constant 256 : i32
    %mul3A_2 = arith.muli %add3A, %mul3A_1 : i32
    %mul3A_3 = arith.constant 64 : i32
    %mul3A_4 = arith.muli %mul3A_2, %mul3A_3 : i32
    "tpu.region"() ({
      %run_scoped3A = tpu.sem_alloc : memref<!tpu.dma_semaphore, #tpu.memory_space<semaphore_mem>>
      %dma_start3A = tpu.memref_slice %arg2[%mul3A_4] : memref<524288xf32, #tpu.memory_space<hbm>> -> memref<16384xf32, #tpu.memory_space<hbm>>
      %dma_start3A_42 = tpu.memref_slice %arg2[%mul3A_4] : memref<524288xf32, #tpu.memory_space<hbm>> -> memref<16384xf32, #tpu.memory_space<hbm>>
      tpu.enqueue_dma source(%dma_start3A_42 : memref<16384xf32, #tpu.memory_space<hbm>>) target(%arg4 : memref<16384xf32, #tpu.memory_space<vmem>>) target_semaphore(%run_scoped3A : memref<!tpu.dma_semaphore, #tpu.memory_space<semaphore_mem>>)
      %dma_wait3A = tpu.memref_slice %arg2[%mul3A_4] : memref<524288xf32, #tpu.memory_space<hbm>> -> memref<16384xf32, #tpu.memory_space<hbm>>
      %dma_wait3A_43 = tpu.memref_slice %arg2[%mul3A_4] : memref<524288xf32, #tpu.memory_space<hbm>> -> memref<16384xf32, #tpu.memory_space<hbm>>
      tpu.wait_dma2 semaphore(%run_scoped3A : memref<!tpu.dma_semaphore, #tpu.memory_space<semaphore_mem>>) src(%dma_wait3A_43 : memref<16384xf32, #tpu.memory_space<hbm>>) dst(%arg4 : memref<16384xf32, #tpu.memory_space<vmem>>)
      tpu.yield
    }) : () -> ()
    %broadcast_in_dim3A = arith.constant 0.000000e+00 : f32
    %broadcast_in_dim3A_5 = vector.broadcast %broadcast_in_dim3A : f32 to vector<16xf32>
    %scan3A = arith.constant 0 : i32
    %scan3A_6 = arith.constant 128 : i32
    %scan3A_7 = arith.addi %scan3A, %scan3A_6 : i32
    %scan3A_8 = arith.constant 1 : i32
    %scan3A_9:8 = scf.for %scan3A_42 = %scan3A to %scan3A_7 step %scan3A_8 iter_args(%scan3A_43 = %broadcast_in_dim3A_5, %scan3A_44 = %broadcast_in_dim3A_5, %scan3A_45 = %broadcast_in_dim3A_5, %scan3A_46 = %broadcast_in_dim3A_5, %scan3A_47 = %broadcast_in_dim3A_5, %scan3A_48 = %broadcast_in_dim3A_5, %scan3A_49 = %broadcast_in_dim3A_5, %scan3A_50 = %broadcast_in_dim3A_5) -> (vector<16xf32>, vector<16xf32>, vector<16xf32>, vector<16xf32>, vector<16xf32>, vector<16xf32>, vector<16xf32>, vector<16xf32>)  : i32 {
      %mul3A_51 = arith.constant 2 : i32
      %mul3A_52 = arith.muli %mul3A_51, %scan3A_42 : i32
      %mul3A_53 = arith.constant 64 : i32
      %mul3A_54 = arith.muli %mul3A_52, %mul3A_53 : i32
      %add3A_55 = arith.constant 0 : i32
      %add3A_56 = arith.addi %mul3A_54, %add3A_55 : i32
      %get3A = arith.index_cast %add3A_56 : i32 to index
      %get3A_57 = tpu.vector_load %arg4[%get3A] {strides = array<i32>} : memref<16384xf32, #tpu.memory_space<vmem>>, vector<16xf32>,
      %exp3A = math.exp %get3A_57 : vector<16xf32>
      %add3A_58 = arith.constant 16 : i32
      %add3A_59 = arith.addi %mul3A_54, %add3A_58 : i32
      %get3A_60 = arith.index_cast %add3A_59 : i32 to index
      %get3A_61 = tpu.vector_load %arg4[%get3A_60] {strides = array<i32>} : memref<16384xf32, #tpu.memory_space<vmem>>, vector<16xf32>,
      %exp3A_62 = math.exp %get3A_61 : vector<16xf32>
      %add3A_63 = arith.constant 32 : i32
      %add3A_64 = arith.addi %mul3A_54, %add3A_63 : i32
      %get3A_65 = arith.index_cast %add3A_64 : i32 to index
      %get3A_66 = tpu.vector_load %arg4[%get3A_65] {strides = array<i32>} : memref<16384xf32, #tpu.memory_space<vmem>>, vector<16xf32>,
      %exp3A_67 = math.exp %get3A_66 : vector<16xf32>
      %add3A_68 = arith.constant 48 : i32
      %add3A_69 = arith.addi %mul3A_54, %add3A_68 : i32
      %get3A_70 = arith.index_cast %add3A_69 : i32 to index
      %get3A_71 = tpu.vector_load %arg4[%get3A_70] {strides = array<i32>} : memref<16384xf32, #tpu.memory_space<vmem>>, vector<16xf32>,
      %exp3A_72 = math.exp %get3A_71 : vector<16xf32>
      %add3A_73 = arith.addf %exp3A, %exp3A_62 : vector<16xf32>
      %add3A_74 = arith.addf %add3A_73, %exp3A_67 : vector<16xf32>
      %add3A_75 = arith.addf %add3A_74, %exp3A_72 : vector<16xf32>
      %reduce_sum3A = arith.constant true
      %reduce_sum3A_76 = vector.broadcast %reduce_sum3A : i1 to vector<16xi1>
      %reduce_sum3A_77 = tpu.scan <sum>, %add3A_75 masked %reduce_sum3A_76 : vector<16xf32>, vector<16xi1> -> vector<16xf32>
      %reduce_sum3A_78 = vector.extract %reduce_sum3A_77[15] : f32 from vector<16xf32>
      %sort3A = arith.constant dense<true> : vector<16xi1>
      %sort3A_79, %sort3A_80, %sort3A_81 = tpu.sort %exp3A, %exp3A masked %sort3A : (vector<16xf32>, vector<16xf32>, vector<16xi1>) -> (vector<16xi1>, vector<16xf32>, vector<16xf32>)
      %sort3A_82 = arith.constant dense<true> : vector<16xi1>
      %sort3A_83, %sort3A_84, %sort3A_85 = tpu.sort %exp3A_62, %exp3A_62 masked %sort3A_82 : (vector<16xf32>, vector<16xf32>, vector<16xi1>) -> (vector<16xi1>, vector<16xf32>, vector<16xf32>)
      %sort3A_86 = arith.constant dense<true> : vector<16xi1>
      %sort3A_87, %sort3A_88, %sort3A_89 = tpu.sort %exp3A_67, %exp3A_67 masked %sort3A_86 : (vector<16xf32>, vector<16xf32>, vector<16xi1>) -> (vector<16xi1>, vector<16xf32>, vector<16xf32>)
      %sort3A_90 = arith.constant dense<true> : vector<16xi1>
      %sort3A_91, %sort3A_92, %sort3A_93 = tpu.sort %exp3A_72, %exp3A_72 masked %sort3A_90 : (vector<16xf32>, vector<16xf32>, vector<16xi1>) -> (vector<16xi1>, vector<16xf32>, vector<16xf32>)
      %rev3A = arith.constant 15 : i32
      %rev3A_94 = vector.broadcast %rev3A : i32 to vector<16xi32>
      %rev3A_95 = tpu.iota {dimensions = array<i32: 0>} : vector<16xi32>
      %rev3A_96 = arith.subi %rev3A_94, %rev3A_95 : vector<16xi32>
      %rev3A_97 = tpu.dynamic_gather %sort3A_84[%rev3A_96] in [0] : vector<16xf32>, vector<16xi32> -> vector<16xf32>
      %min3A = arith.minimumf %sort3A_80, %rev3A_97 : vector<16xf32>
      %max3A = arith.maximumf %sort3A_80, %rev3A_97 : vector<16xf32>
      %sort3A_98 = arith.constant dense<true> : vector<16xi1>
      %sort3A_99, %sort3A_100, %sort3A_101 = tpu.sort %min3A, %min3A masked %sort3A_98 : (vector<16xf32>, vector<16xf32>, vector<16xi1>) -> (vector<16xi1>, vector<16xf32>, vector<16xf32>)
      %sort3A_102 = arith.constant dense<true> : vector<16xi1>
      %sort3A_103, %sort3A_104, %sort3A_105 = tpu.sort %max3A, %max3A masked %sort3A_102 : (vector<16xf32>, vector<16xf32>, vector<16xi1>) -> (vector<16xi1>, vector<16xf32>, vector<16xf32>)
      %rev3A_106 = arith.constant 15 : i32
      %rev3A_107 = vector.broadcast %rev3A_106 : i32 to vector<16xi32>
      %rev3A_108 = tpu.iota {dimensions = array<i32: 0>} : vector<16xi32>
      %rev3A_109 = arith.subi %rev3A_107, %rev3A_108 : vector<16xi32>
      %rev3A_110 = tpu.dynamic_gather %sort3A_92[%rev3A_109] in [0] : vector<16xf32>, vector<16xi32> -> vector<16xf32>
      %min3A_111 = arith.minimumf %sort3A_88, %rev3A_110 : vector<16xf32>
      %max3A_112 = arith.maximumf %sort3A_88, %rev3A_110 : vector<16xf32>
      %sort3A_113 = arith.constant dense<true> : vector<16xi1>
      %sort3A_114, %sort3A_115, %sort3A_116 = tpu.sort %min3A_111, %min3A_111 masked %sort3A_113 : (vector<16xf32>, vector<16xf32>, vector<16xi1>) -> (vector<16xi1>, vector<16xf32>, vector<16xf32>)
      %sort3A_117 = arith.constant dense<true> : vector<16xi1>
      %sort3A_118, %sort3A_119, %sort3A_120 = tpu.sort %max3A_112, %max3A_112 masked %sort3A_117 : (vector<16xf32>, vector<16xf32>, vector<16xi1>) -> (vector<16xi1>, vector<16xf32>, vector<16xf32>)
      %rev3A_121 = arith.constant 15 : i32
      %rev3A_122 = vector.broadcast %rev3A_121 : i32 to vector<16xi32>
      %rev3A_123 = tpu.iota {dimensions = array<i32: 0>} : vector<16xi32>
      %rev3A_124 = arith.subi %rev3A_122, %rev3A_123 : vector<16xi32>
      %rev3A_125 = tpu.dynamic_gather %sort3A_119[%rev3A_124] in [0] : vector<16xf32>, vector<16xi32> -> vector<16xf32>
      %rev3A_126 = arith.constant 15 : i32
      %rev3A_127 = vector.broadcast %rev3A_126 : i32 to vector<16xi32>
      %rev3A_128 = tpu.iota {dimensions = array<i32: 0>} : vector<16xi32>
      %rev3A_129 = arith.subi %rev3A_127, %rev3A_128 : vector<16xi32>
      %rev3A_130 = tpu.dynamic_gather %sort3A_115[%rev3A_129] in [0] : vector<16xf32>, vector<16xi32> -> vector<16xf32>
      %min3A_131 = arith.minimumf %sort3A_100, %rev3A_125 : vector<16xf32>
      %min3A_132 = arith.minimumf %sort3A_104, %rev3A_130 : vector<16xf32>
      %max3A_133 = arith.maximumf %sort3A_100, %rev3A_125 : vector<16xf32>
      %max3A_134 = arith.maximumf %sort3A_104, %rev3A_130 : vector<16xf32>
      %min3A_135 = arith.minimumf %min3A_131, %min3A_132 : vector<16xf32>
      %max3A_136 = arith.maximumf %min3A_131, %min3A_132 : vector<16xf32>
      %min3A_137 = arith.minimumf %max3A_133, %max3A_134 : vector<16xf32>
      %max3A_138 = arith.maximumf %max3A_133, %max3A_134 : vector<16xf32>
      %sort3A_139 = arith.constant dense<true> : vector<16xi1>
      %sort3A_140, %sort3A_141, %sort3A_142 = tpu.sort %min3A_135, %min3A_135 masked %sort3A_139 : (vector<16xf32>, vector<16xf32>, vector<16xi1>) -> (vector<16xi1>, vector<16xf32>, vector<16xf32>)
      %sort3A_143 = arith.constant dense<true> : vector<16xi1>
      %sort3A_144, %sort3A_145, %sort3A_146 = tpu.sort %max3A_136, %max3A_136 masked %sort3A_143 : (vector<16xf32>, vector<16xf32>, vector<16xi1>) -> (vector<16xi1>, vector<16xf32>, vector<16xf32>)
      %sort3A_147 = arith.constant dense<true> : vector<16xi1>
      %sort3A_148, %sort3A_149, %sort3A_150 = tpu.sort %min3A_137, %min3A_137 masked %sort3A_147 : (vector<16xf32>, vector<16xf32>, vector<16xi1>) -> (vector<16xi1>, vector<16xf32>, vector<16xf32>)
      %sort3A_151 = arith.constant dense<true> : vector<16xi1>
      %sort3A_152, %sort3A_153, %sort3A_154 = tpu.sort %max3A_138, %max3A_138 masked %sort3A_151 : (vector<16xf32>, vector<16xf32>, vector<16xi1>) -> (vector<16xi1>, vector<16xf32>, vector<16xf32>)
      %reduce_sum3A_155 = arith.constant true
      %reduce_sum3A_156 = vector.broadcast %reduce_sum3A_155 : i1 to vector<16xi1>
      %reduce_sum3A_157 = tpu.scan <sum>, %sort3A_141 masked %reduce_sum3A_156 : vector<16xf32>, vector<16xi1> -> vector<16xf32>
      %reduce_sum3A_158 = vector.extract %reduce_sum3A_157[15] : f32 from vector<16xf32>
      %reduce_sum3A_159 = arith.constant true
      %reduce_sum3A_160 = vector.broadcast %reduce_sum3A_159 : i1 to vector<16xi1>
      %reduce_sum3A_161 = tpu.scan <sum>, %sort3A_145 masked %reduce_sum3A_160 : vector<16xf32>, vector<16xi1> -> vector<16xf32>
      %reduce_sum3A_162 = vector.extract %reduce_sum3A_161[15] : f32 from vector<16xf32>
      %reduce_sum3A_163 = arith.constant true
      %reduce_sum3A_164 = vector.broadcast %reduce_sum3A_163 : i1 to vector<16xi1>
      %reduce_sum3A_165 = tpu.scan <sum>, %sort3A_149 masked %reduce_sum3A_164 : vector<16xf32>, vector<16xi1> -> vector<16xf32>
      %reduce_sum3A_166 = vector.extract %reduce_sum3A_165[15] : f32 from vector<16xf32>
      %broadcast_in_dim3A_167 = arith.constant true
      %broadcast_in_dim3A_168 = vector.broadcast %broadcast_in_dim3A_167 : i1 to vector<16xi1>
      %masked_cumsum3A = tpu.scan <sum>, %sort3A_141 masked %broadcast_in_dim3A_168 : vector<16xf32>, vector<16xi1> -> vector<16xf32>
      %broadcast_in_dim3A_169 = arith.constant true
      %broadcast_in_dim3A_170 = vector.broadcast %broadcast_in_dim3A_169 : i1 to vector<16xi1>
      %masked_cumsum3A_171 = tpu.scan <sum>, %sort3A_145 masked %broadcast_in_dim3A_170 : vector<16xf32>, vector<16xi1> -> vector<16xf32>
      %add3A_172 = vector.broadcast %reduce_sum3A_158 : f32 to vector<16xf32>
      %add3A_173 = arith.addf %masked_cumsum3A_171, %add3A_172 : vector<16xf32>
      %broadcast_in_dim3A_174 = arith.constant true
      %broadcast_in_dim3A_175 = vector.broadcast %broadcast_in_dim3A_174 : i1 to vector<16xi1>
      %masked_cumsum3A_176 = tpu.scan <sum>, %sort3A_149 masked %broadcast_in_dim3A_175 : vector<16xf32>, vector<16xi1> -> vector<16xf32>
      %add3A_177 = arith.addf %reduce_sum3A_158, %reduce_sum3A_162 : f32
      %add3A_178 = vector.broadcast %add3A_177 : f32 to vector<16xf32>
      %add3A_179 = arith.addf %masked_cumsum3A_176, %add3A_178 : vector<16xf32>
      %broadcast_in_dim3A_180 = arith.constant true
      %broadcast_in_dim3A_181 = vector.broadcast %broadcast_in_dim3A_180 : i1 to vector<16xi1>
      %masked_cumsum3A_182 = tpu.scan <sum>, %sort3A_153 masked %broadcast_in_dim3A_181 : vector<16xf32>, vector<16xi1> -> vector<16xf32>
      %add3A_183 = arith.addf %reduce_sum3A_158, %reduce_sum3A_162 : f32
      %add3A_184 = arith.addf %add3A_183, %reduce_sum3A_166 : f32
      %add3A_185 = vector.broadcast %add3A_184 : f32 to vector<16xf32>
      %add3A_186 = arith.addf %masked_cumsum3A_182, %add3A_185 : vector<16xf32>
      %mul3A_187 = arith.constant 2.000000e-01 : f32
      %mul3A_188 = arith.mulf %mul3A_187, %reduce_sum3A_78 : f32
      %broadcast_in_dim3A_189 = arith.constant 3.000000e+38 : f32
      %broadcast_in_dim3A_190 = vector.broadcast %broadcast_in_dim3A_189 : f32 to vector<16xf32>
      %ge3A = vector.broadcast %mul3A_188 : f32 to vector<16xf32>
      %ge3A_191 = arith.cmpf oge, %masked_cumsum3A, %ge3A : vector<16xf32>
      %select_n3A = arith.select %ge3A_191, %sort3A_141, %broadcast_in_dim3A_190 : vector<16xi1>, vector<16xf32>
      %ge3A_192 = vector.broadcast %mul3A_188 : f32 to vector<16xf32>
      %ge3A_193 = arith.cmpf oge, %add3A_173, %ge3A_192 : vector<16xf32>
      %select_n3A_194 = arith.select %ge3A_193, %sort3A_145, %broadcast_in_dim3A_190 : vector<16xi1>, vector<16xf32>
      %min3A_195 = arith.minimumf %select_n3A, %select_n3A_194 : vector<16xf32>
      %ge3A_196 = vector.broadcast %mul3A_188 : f32 to vector<16xf32>
      %ge3A_197 = arith.cmpf oge, %add3A_179, %ge3A_196 : vector<16xf32>
      %select_n3A_198 = arith.select %ge3A_197, %sort3A_149, %broadcast_in_dim3A_190 : vector<16xi1>, vector<16xf32>
      %ge3A_199 = vector.broadcast %mul3A_188 : f32 to vector<16xf32>
      %ge3A_200 = arith.cmpf oge, %add3A_186, %ge3A_199 : vector<16xf32>
      %select_n3A_201 = arith.select %ge3A_200, %sort3A_153, %broadcast_in_dim3A_190 : vector<16xi1>, vector<16xf32>
      %min3A_202 = arith.minimumf %select_n3A_198, %select_n3A_201 : vector<16xf32>
      %min3A_203 = arith.minimumf %min3A_195, %min3A_202 : vector<16xf32>
      %reduce_min3A = arith.constant true
      %reduce_min3A_204 = vector.broadcast %reduce_min3A : i1 to vector<16xi1>
      %reduce_min3A_205 = tpu.scan <min>, %min3A_203 masked %reduce_min3A_204 : vector<16xf32>, vector<16xi1> -> vector<16xf32>
      %reduce_min3A_206 = vector.extract %reduce_min3A_205[15] : f32 from vector<16xf32>
      %broadcast_in_dim3A_207 = arith.constant 1.000000e+00 : f32
      %broadcast_in_dim3A_208 = vector.broadcast %broadcast_in_dim3A_207 : f32 to vector<16xf32>
      %div3A = vector.broadcast %reduce_sum3A_78 : f32 to vector<16xf32>
      %div3A_209 = arith.divf %broadcast_in_dim3A_208, %div3A : vector<16xf32>
      %ge3A_210 = vector.broadcast %reduce_min3A_206 : f32 to vector<16xf32>
      %ge3A_211 = arith.cmpf oge, %exp3A, %ge3A_210 : vector<16xf32>
      %jit3A = arith.constant 1.000000e+00 : f32
      %jit3A_212 = arith.constant 0.000000e+00 : f32
      %broadcast_in_dim3A_213 = vector.broadcast %jit3A : f32 to vector<16xf32>
      %broadcast_in_dim3A_214 = vector.broadcast %jit3A_212 : f32 to vector<16xf32>
      %select_n3A_215 = arith.select %ge3A_211, %broadcast_in_dim3A_213, %broadcast_in_dim3A_214 : vector<16xi1>, vector<16xf32>
      %add3A_216 = arith.addf %scan3A_43, %select_n3A_215 : vector<16xf32>
      %mul3A_217 = arith.mulf %exp3A, %div3A_209 : vector<16xf32>
      %add3A_218 = arith.addf %scan3A_44, %mul3A_217 : vector<16xf32>
      %ge3A_219 = vector.broadcast %reduce_min3A_206 : f32 to vector<16xf32>
      %ge3A_220 = arith.cmpf oge, %exp3A_62, %ge3A_219 : vector<16xf32>
      %jit3A_221 = arith.constant 1.000000e+00 : f32
      %jit3A_222 = arith.constant 0.000000e+00 : f32
      %broadcast_in_dim3A_223 = vector.broadcast %jit3A_221 : f32 to vector<16xf32>
      %broadcast_in_dim3A_224 = vector.broadcast %jit3A_222 : f32 to vector<16xf32>
      %select_n3A_225 = arith.select %ge3A_220, %broadcast_in_dim3A_223, %broadcast_in_dim3A_224 : vector<16xi1>, vector<16xf32>
      %add3A_226 = arith.addf %scan3A_45, %select_n3A_225 : vector<16xf32>
      %mul3A_227 = arith.mulf %exp3A_62, %div3A_209 : vector<16xf32>
      %add3A_228 = arith.addf %scan3A_46, %mul3A_227 : vector<16xf32>
      %ge3A_229 = vector.broadcast %reduce_min3A_206 : f32 to vector<16xf32>
      %ge3A_230 = arith.cmpf oge, %exp3A_67, %ge3A_229 : vector<16xf32>
      %jit3A_231 = arith.constant 1.000000e+00 : f32
      %jit3A_232 = arith.constant 0.000000e+00 : f32
      %broadcast_in_dim3A_233 = vector.broadcast %jit3A_231 : f32 to vector<16xf32>
      %broadcast_in_dim3A_234 = vector.broadcast %jit3A_232 : f32 to vector<16xf32>
      %select_n3A_235 = arith.select %ge3A_230, %broadcast_in_dim3A_233, %broadcast_in_dim3A_234 : vector<16xi1>, vector<16xf32>
      %add3A_236 = arith.addf %scan3A_47, %select_n3A_235 : vector<16xf32>
      %mul3A_237 = arith.mulf %exp3A_67, %div3A_209 : vector<16xf32>
      %add3A_238 = arith.addf %scan3A_48, %mul3A_237 : vector<16xf32>
      %ge3A_239 = vector.broadcast %reduce_min3A_206 : f32 to vector<16xf32>
      %ge3A_240 = arith.cmpf oge, %exp3A_72, %ge3A_239 : vector<16xf32>
      %jit3A_241 = arith.constant 1.000000e+00 : f32
      %jit3A_242 = arith.constant 0.000000e+00 : f32
      %broadcast_in_dim3A_243 = vector.broadcast %jit3A_241 : f32 to vector<16xf32>
      %broadcast_in_dim3A_244 = vector.broadcast %jit3A_242 : f32 to vector<16xf32>
      %select_n3A_245 = arith.select %ge3A_240, %broadcast_in_dim3A_243, %broadcast_in_dim3A_244 : vector<16xi1>, vector<16xf32>
      %add3A_246 = arith.addf %scan3A_49, %select_n3A_245 : vector<16xf32>
      %mul3A_247 = arith.mulf %exp3A_72, %div3A_209 : vector<16xf32>
      %add3A_248 = arith.addf %scan3A_50, %mul3A_247 : vector<16xf32>
      %mul3A_249 = arith.constant 2 : i32
      %mul3A_250 = arith.muli %mul3A_249, %scan3A_42 : i32
      %add3A_251 = arith.constant 1 : i32
      %add3A_252 = arith.addi %mul3A_250, %add3A_251 : i32
      %mul3A_253 = arith.constant 64 : i32
      %mul3A_254 = arith.muli %add3A_252, %mul3A_253 : i32
      %add3A_255 = arith.constant 0 : i32
      %add3A_256 = arith.addi %mul3A_254, %add3A_255 : i32
      %get3A_257 = arith.index_cast %add3A_256 : i32 to index
      %get3A_258 = tpu.vector_load %arg4[%get3A_257] {strides = array<i32>} : memref<16384xf32, #tpu.memory_space<vmem>>, vector<16xf32>,
      %exp3A_259 = math.exp %get3A_258 : vector<16xf32>
      %add3A_260 = arith.constant 16 : i32
      %add3A_261 = arith.addi %mul3A_254, %add3A_260 : i32
      %get3A_262 = arith.index_cast %add3A_261 : i32 to index
      %get3A_263 = tpu.vector_load %arg4[%get3A_262] {strides = array<i32>} : memref<16384xf32, #tpu.memory_space<vmem>>, vector<16xf32>,
      %exp3A_264 = math.exp %get3A_263 : vector<16xf32>
      %add3A_265 = arith.constant 32 : i32
      %add3A_266 = arith.addi %mul3A_254, %add3A_265 : i32
      %get3A_267 = arith.index_cast %add3A_266 : i32 to index
      %get3A_268 = tpu.vector_load %arg4[%get3A_267] {strides = array<i32>} : memref<16384xf32, #tpu.memory_space<vmem>>, vector<16xf32>,
      %exp3A_269 = math.exp %get3A_268 : vector<16xf32>
      %add3A_270 = arith.constant 48 : i32
      %add3A_271 = arith.addi %mul3A_254, %add3A_270 : i32
      %get3A_272 = arith.index_cast %add3A_271 : i32 to index
      %get3A_273 = tpu.vector_load %arg4[%get3A_272] {strides = array<i32>} : memref<16384xf32, #tpu.memory_space<vmem>>, vector<16xf32>,
      %exp3A_274 = math.exp %get3A_273 : vector<16xf32>
      %add3A_275 = arith.addf %exp3A_259, %exp3A_264 : vector<16xf32>
      %add3A_276 = arith.addf %add3A_275, %exp3A_269 : vector<16xf32>
      %add3A_277 = arith.addf %add3A_276, %exp3A_274 : vector<16xf32>
      %reduce_sum3A_278 = arith.constant true
      %reduce_sum3A_279 = vector.broadcast %reduce_sum3A_278 : i1 to vector<16xi1>
      %reduce_sum3A_280 = tpu.scan <sum>, %add3A_277 masked %reduce_sum3A_279 : vector<16xf32>, vector<16xi1> -> vector<16xf32>
      %reduce_sum3A_281 = vector.extract %reduce_sum3A_280[15] : f32 from vector<16xf32>
      %sort3A_282 = arith.constant dense<true> : vector<16xi1>
      %sort3A_283, %sort3A_284, %sort3A_285 = tpu.sort %exp3A_259, %exp3A_259 masked %sort3A_282 : (vector<16xf32>, vector<16xf32>, vector<16xi1>) -> (vector<16xi1>, vector<16xf32>, vector<16xf32>)
      %sort3A_286 = arith.constant dense<true> : vector<16xi1>
      %sort3A_287, %sort3A_288, %sort3A_289 = tpu.sort %exp3A_264, %exp3A_264 masked %sort3A_286 : (vector<16xf32>, vector<16xf32>, vector<16xi1>) -> (vector<16xi1>, vector<16xf32>, vector<16xf32>)
      %sort3A_290 = arith.constant dense<true> : vector<16xi1>
      %sort3A_291, %sort3A_292, %sort3A_293 = tpu.sort %exp3A_269, %exp3A_269 masked %sort3A_290 : (vector<16xf32>, vector<16xf32>, vector<16xi1>) -> (vector<16xi1>, vector<16xf32>, vector<16xf32>)
      %sort3A_294 = arith.constant dense<true> : vector<16xi1>
      %sort3A_295, %sort3A_296, %sort3A_297 = tpu.sort %exp3A_274, %exp3A_274 masked %sort3A_294 : (vector<16xf32>, vector<16xf32>, vector<16xi1>) -> (vector<16xi1>, vector<16xf32>, vector<16xf32>)
      %rev3A_298 = arith.constant 15 : i32
      %rev3A_299 = vector.broadcast %rev3A_298 : i32 to vector<16xi32>
      %rev3A_300 = tpu.iota {dimensions = array<i32: 0>} : vector<16xi32>
      %rev3A_301 = arith.subi %rev3A_299, %rev3A_300 : vector<16xi32>
      %rev3A_302 = tpu.dynamic_gather %sort3A_288[%rev3A_301] in [0] : vector<16xf32>, vector<16xi32> -> vector<16xf32>
      %min3A_303 = arith.minimumf %sort3A_284, %rev3A_302 : vector<16xf32>
      %max3A_304 = arith.maximumf %sort3A_284, %rev3A_302 : vector<16xf32>
      %sort3A_305 = arith.constant dense<true> : vector<16xi1>
      %sort3A_306, %sort3A_307, %sort3A_308 = tpu.sort %min3A_303, %min3A_303 masked %sort3A_305 : (vector<16xf32>, vector<16xf32>, vector<16xi1>) -> (vector<16xi1>, vector<16xf32>, vector<16xf32>)
      %sort3A_309 = arith.constant dense<true> : vector<16xi1>
      %sort3A_310, %sort3A_311, %sort3A_312 = tpu.sort %max3A_304, %max3A_304 masked %sort3A_309 : (vector<16xf32>, vector<16xf32>, vector<16xi1>) -> (vector<16xi1>, vector<16xf32>, vector<16xf32>)
      %rev3A_313 = arith.constant 15 : i32
      %rev3A_314 = vector.broadcast %rev3A_313 : i32 to vector<16xi32>
      %rev3A_315 = tpu.iota {dimensions = array<i32: 0>} : vector<16xi32>
      %rev3A_316 = arith.subi %rev3A_314, %rev3A_315 : vector<16xi32>
      %rev3A_317 = tpu.dynamic_gather %sort3A_296[%rev3A_316] in [0] : vector<16xf32>, vector<16xi32> -> vector<16xf32>
      %min3A_318 = arith.minimumf %sort3A_292, %rev3A_317 : vector<16xf32>
      %max3A_319 = arith.maximumf %sort3A_292, %rev3A_317 : vector<16xf32>
      %sort3A_320 = arith.constant dense<true> : vector<16xi1>
      %sort3A_321, %sort3A_322, %sort3A_323 = tpu.sort %min3A_318, %min3A_318 masked %sort3A_320 : (vector<16xf32>, vector<16xf32>, vector<16xi1>) -> (vector<16xi1>, vector<16xf32>, vector<16xf32>)
      %sort3A_324 = arith.constant dense<true> : vector<16xi1>
      %sort3A_325, %sort3A_326, %sort3A_327 = tpu.sort %max3A_319, %max3A_319 masked %sort3A_324 : (vector<16xf32>, vector<16xf32>, vector<16xi1>) -> (vector<16xi1>, vector<16xf32>, vector<16xf32>)
      %rev3A_328 = arith.constant 15 : i32
      %rev3A_329 = vector.broadcast %rev3A_328 : i32 to vector<16xi32>
      %rev3A_330 = tpu.iota {dimensions = array<i32: 0>} : vector<16xi32>
      %rev3A_331 = arith.subi %rev3A_329, %rev3A_330 : vector<16xi32>
      %rev3A_332 = tpu.dynamic_gather %sort3A_326[%rev3A_331] in [0] : vector<16xf32>, vector<16xi32> -> vector<16xf32>
      %rev3A_333 = arith.constant 15 : i32
      %rev3A_334 = vector.broadcast %rev3A_333 : i32 to vector<16xi32>
      %rev3A_335 = tpu.iota {dimensions = array<i32: 0>} : vector<16xi32>
      %rev3A_336 = arith.subi %rev3A_334, %rev3A_335 : vector<16xi32>
      %rev3A_337 = tpu.dynamic_gather %sort3A_322[%rev3A_336] in [0] : vector<16xf32>, vector<16xi32> -> vector<16xf32>
      %min3A_338 = arith.minimumf %sort3A_307, %rev3A_332 : vector<16xf32>
      %min3A_339 = arith.minimumf %sort3A_311, %rev3A_337 : vector<16xf32>
      %max3A_340 = arith.maximumf %sort3A_307, %rev3A_332 : vector<16xf32>
      %max3A_341 = arith.maximumf %sort3A_311, %rev3A_337 : vector<16xf32>
      %min3A_342 = arith.minimumf %min3A_338, %min3A_339 : vector<16xf32>
      %max3A_343 = arith.maximumf %min3A_338, %min3A_339 : vector<16xf32>
      %min3A_344 = arith.minimumf %max3A_340, %max3A_341 : vector<16xf32>
      %max3A_345 = arith.maximumf %max3A_340, %max3A_341 : vector<16xf32>
      %sort3A_346 = arith.constant dense<true> : vector<16xi1>
      %sort3A_347, %sort3A_348, %sort3A_349 = tpu.sort %min3A_342, %min3A_342 masked %sort3A_346 : (vector<16xf32>, vector<16xf32>, vector<16xi1>) -> (vector<16xi1>, vector<16xf32>, vector<16xf32>)
      %sort3A_350 = arith.constant dense<true> : vector<16xi1>
      %sort3A_351, %sort3A_352, %sort3A_353 = tpu.sort %max3A_343, %max3A_343 masked %sort3A_350 : (vector<16xf32>, vector<16xf32>, vector<16xi1>) -> (vector<16xi1>, vector<16xf32>, vector<16xf32>)
      %sort3A_354 = arith.constant dense<true> : vector<16xi1>
      %sort3A_355, %sort3A_356, %sort3A_357 = tpu.sort %min3A_344, %min3A_344 masked %sort3A_354 : (vector<16xf32>, vector<16xf32>, vector<16xi1>) -> (vector<16xi1>, vector<16xf32>, vector<16xf32>)
      %sort3A_358 = arith.constant dense<true> : vector<16xi1>
      %sort3A_359, %sort3A_360, %sort3A_361 = tpu.sort %max3A_345, %max3A_345 masked %sort3A_358 : (vector<16xf32>, vector<16xf32>, vector<16xi1>) -> (vector<16xi1>, vector<16xf32>, vector<16xf32>)
      %reduce_sum3A_362 = arith.constant true
      %reduce_sum3A_363 = vector.broadcast %reduce_sum3A_362 : i1 to vector<16xi1>
      %reduce_sum3A_364 = tpu.scan <sum>, %sort3A_348 masked %reduce_sum3A_363 : vector<16xf32>, vector<16xi1> -> vector<16xf32>
      %reduce_sum3A_365 = vector.extract %reduce_sum3A_364[15] : f32 from vector<16xf32>
      %reduce_sum3A_366 = arith.constant true
      %reduce_sum3A_367 = vector.broadcast %reduce_sum3A_366 : i1 to vector<16xi1>
      %reduce_sum3A_368 = tpu.scan <sum>, %sort3A_352 masked %reduce_sum3A_367 : vector<16xf32>, vector<16xi1> -> vector<16xf32>
      %reduce_sum3A_369 = vector.extract %reduce_sum3A_368[15] : f32 from vector<16xf32>
      %reduce_sum3A_370 = arith.constant true
      %reduce_sum3A_371 = vector.broadcast %reduce_sum3A_370 : i1 to vector<16xi1>
      %reduce_sum3A_372 = tpu.scan <sum>, %sort3A_356 masked %reduce_sum3A_371 : vector<16xf32>, vector<16xi1> -> vector<16xf32>
      %reduce_sum3A_373 = vector.extract %reduce_sum3A_372[15] : f32 from vector<16xf32>
      %broadcast_in_dim3A_374 = arith.constant true
      %broadcast_in_dim3A_375 = vector.broadcast %broadcast_in_dim3A_374 : i1 to vector<16xi1>
      %masked_cumsum3A_376 = tpu.scan <sum>, %sort3A_348 masked %broadcast_in_dim3A_375 : vector<16xf32>, vector<16xi1> -> vector<16xf32>
      %broadcast_in_dim3A_377 = arith.constant true
      %broadcast_in_dim3A_378 = vector.broadcast %broadcast_in_dim3A_377 : i1 to vector<16xi1>
      %masked_cumsum3A_379 = tpu.scan <sum>, %sort3A_352 masked %broadcast_in_dim3A_378 : vector<16xf32>, vector<16xi1> -> vector<16xf32>
      %add3A_380 = vector.broadcast %reduce_sum3A_365 : f32 to vector<16xf32>
      %add3A_381 = arith.addf %masked_cumsum3A_379, %add3A_380 : vector<16xf32>
      %broadcast_in_dim3A_382 = arith.constant true
      %broadcast_in_dim3A_383 = vector.broadcast %broadcast_in_dim3A_382 : i1 to vector<16xi1>
      %masked_cumsum3A_384 = tpu.scan <sum>, %sort3A_356 masked %broadcast_in_dim3A_383 : vector<16xf32>, vector<16xi1> -> vector<16xf32>
      %add3A_385 = arith.addf %reduce_sum3A_365, %reduce_sum3A_369 : f32
      %add3A_386 = vector.broadcast %add3A_385 : f32 to vector<16xf32>
      %add3A_387 = arith.addf %masked_cumsum3A_384, %add3A_386 : vector<16xf32>
      %broadcast_in_dim3A_388 = arith.constant true
      %broadcast_in_dim3A_389 = vector.broadcast %broadcast_in_dim3A_388 : i1 to vector<16xi1>
      %masked_cumsum3A_390 = tpu.scan <sum>, %sort3A_360 masked %broadcast_in_dim3A_389 : vector<16xf32>, vector<16xi1> -> vector<16xf32>
      %add3A_391 = arith.addf %reduce_sum3A_365, %reduce_sum3A_369 : f32
      %add3A_392 = arith.addf %add3A_391, %reduce_sum3A_373 : f32
      %add3A_393 = vector.broadcast %add3A_392 : f32 to vector<16xf32>
      %add3A_394 = arith.addf %masked_cumsum3A_390, %add3A_393 : vector<16xf32>
      %mul3A_395 = arith.constant 2.000000e-01 : f32
      %mul3A_396 = arith.mulf %mul3A_395, %reduce_sum3A_281 : f32
      %broadcast_in_dim3A_397 = arith.constant 3.000000e+38 : f32
      %broadcast_in_dim3A_398 = vector.broadcast %broadcast_in_dim3A_397 : f32 to vector<16xf32>
      %ge3A_399 = vector.broadcast %mul3A_396 : f32 to vector<16xf32>
      %ge3A_400 = arith.cmpf oge, %masked_cumsum3A_376, %ge3A_399 : vector<16xf32>
      %select_n3A_401 = arith.select %ge3A_400, %sort3A_348, %broadcast_in_dim3A_398 : vector<16xi1>, vector<16xf32>
      %ge3A_402 = vector.broadcast %mul3A_396 : f32 to vector<16xf32>
      %ge3A_403 = arith.cmpf oge, %add3A_381, %ge3A_402 : vector<16xf32>
      %select_n3A_404 = arith.select %ge3A_403, %sort3A_352, %broadcast_in_dim3A_398 : vector<16xi1>, vector<16xf32>
      %min3A_405 = arith.minimumf %select_n3A_401, %select_n3A_404 : vector<16xf32>
      %ge3A_406 = vector.broadcast %mul3A_396 : f32 to vector<16xf32>
      %ge3A_407 = arith.cmpf oge, %add3A_387, %ge3A_406 : vector<16xf32>
      %select_n3A_408 = arith.select %ge3A_407, %sort3A_356, %broadcast_in_dim3A_398 : vector<16xi1>, vector<16xf32>
      %ge3A_409 = vector.broadcast %mul3A_396 : f32 to vector<16xf32>
      %ge3A_410 = arith.cmpf oge, %add3A_394, %ge3A_409 : vector<16xf32>
      %select_n3A_411 = arith.select %ge3A_410, %sort3A_360, %broadcast_in_dim3A_398 : vector<16xi1>, vector<16xf32>
      %min3A_412 = arith.minimumf %select_n3A_408, %select_n3A_411 : vector<16xf32>
      %min3A_413 = arith.minimumf %min3A_405, %min3A_412 : vector<16xf32>
      %reduce_min3A_414 = arith.constant true
      %reduce_min3A_415 = vector.broadcast %reduce_min3A_414 : i1 to vector<16xi1>
      %reduce_min3A_416 = tpu.scan <min>, %min3A_413 masked %reduce_min3A_415 : vector<16xf32>, vector<16xi1> -> vector<16xf32>
      %reduce_min3A_417 = vector.extract %reduce_min3A_416[15] : f32 from vector<16xf32>
      %broadcast_in_dim3A_418 = arith.constant 1.000000e+00 : f32
      %broadcast_in_dim3A_419 = vector.broadcast %broadcast_in_dim3A_418 : f32 to vector<16xf32>
      %div3A_420 = vector.broadcast %reduce_sum3A_281 : f32 to vector<16xf32>
      %div3A_421 = arith.divf %broadcast_in_dim3A_419, %div3A_420 : vector<16xf32>
      %ge3A_422 = vector.broadcast %reduce_min3A_417 : f32 to vector<16xf32>
      %ge3A_423 = arith.cmpf oge, %exp3A_259, %ge3A_422 : vector<16xf32>
      %jit3A_424 = arith.constant 1.000000e+00 : f32
      %jit3A_425 = arith.constant 0.000000e+00 : f32
      %broadcast_in_dim3A_426 = vector.broadcast %jit3A_424 : f32 to vector<16xf32>
      %broadcast_in_dim3A_427 = vector.broadcast %jit3A_425 : f32 to vector<16xf32>
      %select_n3A_428 = arith.select %ge3A_423, %broadcast_in_dim3A_426, %broadcast_in_dim3A_427 : vector<16xi1>, vector<16xf32>
      %add3A_429 = arith.addf %add3A_216, %select_n3A_428 : vector<16xf32>
      %mul3A_430 = arith.mulf %exp3A_259, %div3A_421 : vector<16xf32>
      %add3A_431 = arith.addf %add3A_218, %mul3A_430 : vector<16xf32>
      %ge3A_432 = vector.broadcast %reduce_min3A_417 : f32 to vector<16xf32>
      %ge3A_433 = arith.cmpf oge, %exp3A_264, %ge3A_432 : vector<16xf32>
      %jit3A_434 = arith.constant 1.000000e+00 : f32
      %jit3A_435 = arith.constant 0.000000e+00 : f32
      %broadcast_in_dim3A_436 = vector.broadcast %jit3A_434 : f32 to vector<16xf32>
      %broadcast_in_dim3A_437 = vector.broadcast %jit3A_435 : f32 to vector<16xf32>
      %select_n3A_438 = arith.select %ge3A_433, %broadcast_in_dim3A_436, %broadcast_in_dim3A_437 : vector<16xi1>, vector<16xf32>
      %add3A_439 = arith.addf %add3A_226, %select_n3A_438 : vector<16xf32>
      %mul3A_440 = arith.mulf %exp3A_264, %div3A_421 : vector<16xf32>
      %add3A_441 = arith.addf %add3A_228, %mul3A_440 : vector<16xf32>
      %ge3A_442 = vector.broadcast %reduce_min3A_417 : f32 to vector<16xf32>
      %ge3A_443 = arith.cmpf oge, %exp3A_269, %ge3A_442 : vector<16xf32>
      %jit3A_444 = arith.constant 1.000000e+00 : f32
      %jit3A_445 = arith.constant 0.000000e+00 : f32
      %broadcast_in_dim3A_446 = vector.broadcast %jit3A_444 : f32 to vector<16xf32>
      %broadcast_in_dim3A_447 = vector.broadcast %jit3A_445 : f32 to vector<16xf32>
      %select_n3A_448 = arith.select %ge3A_443, %broadcast_in_dim3A_446, %broadcast_in_dim3A_447 : vector<16xi1>, vector<16xf32>
      %add3A_449 = arith.addf %add3A_236, %select_n3A_448 : vector<16xf32>
      %mul3A_450 = arith.mulf %exp3A_269, %div3A_421 : vector<16xf32>
      %add3A_451 = arith.addf %add3A_238, %mul3A_450 : vector<16xf32>
      %ge3A_452 = vector.broadcast %reduce_min3A_417 : f32 to vector<16xf32>
      %ge3A_453 = arith.cmpf oge, %exp3A_274, %ge3A_452 : vector<16xf32>
      %jit3A_454 = arith.constant 1.000000e+00 : f32
      %jit3A_455 = arith.constant 0.000000e+00 : f32
      %broadcast_in_dim3A_456 = vector.broadcast %jit3A_454 : f32 to vector<16xf32>
      %broadcast_in_dim3A_457 = vector.broadcast %jit3A_455 : f32 to vector<16xf32>
      %select_n3A_458 = arith.select %ge3A_453, %broadcast_in_dim3A_456, %broadcast_in_dim3A_457 : vector<16xi1>, vector<16xf32>
      %add3A_459 = arith.addf %add3A_246, %select_n3A_458 : vector<16xf32>
      %mul3A_460 = arith.mulf %exp3A_274, %div3A_421 : vector<16xf32>
      %add3A_461 = arith.addf %add3A_248, %mul3A_460 : vector<16xf32>
      scf.yield %add3A_429, %add3A_431, %add3A_439, %add3A_441, %add3A_449, %add3A_451, %add3A_459, %add3A_461 : vector<16xf32>, vector<16xf32>, vector<16xf32>, vector<16xf32>, vector<16xf32>, vector<16xf32>, vector<16xf32>, vector<16xf32>
    }
    %scan3A_10 = arith.constant 128 : i32
    %swap3A = arith.constant 0 : i32
    %swap3A_11 = arith.index_cast %swap3A : i32 to index
    %swap3A_12 = arith.constant 0 : index
    %swap3A_13 = tpu.vector_load %arg5[%swap3A_11, %swap3A_12] {strides = array<i32>} : memref<8x16xf32, #tpu.memory_space<vmem>>, vector<16xf32>,
    tpu.vector_store %arg5[%swap3A_11, %swap3A_12], %scan3A_9#0 {strides = array<i32>} : memref<8x16xf32, #tpu.memory_space<vmem>>, vector<16xf32>,
    %swap3A_14 = arith.constant 4 : i32
    %swap3A_15 = arith.index_cast %swap3A_14 : i32 to index
    %swap3A_16 = arith.constant 0 : index
    %swap3A_17 = tpu.vector_load %arg5[%swap3A_15, %swap3A_16] {strides = array<i32>} : memref<8x16xf32, #tpu.memory_space<vmem>>, vector<16xf32>,
    tpu.vector_store %arg5[%swap3A_15, %swap3A_16], %scan3A_9#1 {strides = array<i32>} : memref<8x16xf32, #tpu.memory_space<vmem>>, vector<16xf32>,
    %swap3A_18 = arith.constant 1 : i32
    %swap3A_19 = arith.index_cast %swap3A_18 : i32 to index
    %swap3A_20 = arith.constant 0 : index
    %swap3A_21 = tpu.vector_load %arg5[%swap3A_19, %swap3A_20] {strides = array<i32>} : memref<8x16xf32, #tpu.memory_space<vmem>>, vector<16xf32>,
    tpu.vector_store %arg5[%swap3A_19, %swap3A_20], %scan3A_9#2 {strides = array<i32>} : memref<8x16xf32, #tpu.memory_space<vmem>>, vector<16xf32>,
    %swap3A_22 = arith.constant 5 : i32
    %swap3A_23 = arith.index_cast %swap3A_22 : i32 to index
    %swap3A_24 = arith.constant 0 : index
    %swap3A_25 = tpu.vector_load %arg5[%swap3A_23, %swap3A_24] {strides = array<i32>} : memref<8x16xf32, #tpu.memory_space<vmem>>, vector<16xf32>,
    tpu.vector_store %arg5[%swap3A_23, %swap3A_24], %scan3A_9#3 {strides = array<i32>} : memref<8x16xf32, #tpu.memory_space<vmem>>, vector<16xf32>,
    %swap3A_26 = arith.constant 2 : i32
    %swap3A_27 = arith.index_cast %swap3A_26 : i32 to index
    %swap3A_28 = arith.constant 0 : index
    %swap3A_29 = tpu.vector_load %arg5[%swap3A_27, %swap3A_28] {strides = array<i32>} : memref<8x16xf32, #tpu.memory_space<vmem>>, vector<16xf32>,
    tpu.vector_store %arg5[%swap3A_27, %swap3A_28], %scan3A_9#4 {strides = array<i32>} : memref<8x16xf32, #tpu.memory_space<vmem>>, vector<16xf32>,
    %swap3A_30 = arith.constant 6 : i32
    %swap3A_31 = arith.index_cast %swap3A_30 : i32 to index
    %swap3A_32 = arith.constant 0 : index
    %swap3A_33 = tpu.vector_load %arg5[%swap3A_31, %swap3A_32] {strides = array<i32>} : memref<8x16xf32, #tpu.memory_space<vmem>>, vector<16xf32>,
    tpu.vector_store %arg5[%swap3A_31, %swap3A_32], %scan3A_9#5 {strides = array<i32>} : memref<8x16xf32, #tpu.memory_space<vmem>>, vector<16xf32>,
    %swap3A_34 = arith.constant 3 : i32
    %swap3A_35 = arith.index_cast %swap3A_34 : i32 to index
    %swap3A_36 = arith.constant 0 : index
    %swap3A_37 = tpu.vector_load %arg5[%swap3A_35, %swap3A_36] {strides = array<i32>} : memref<8x16xf32, #tpu.memory_space<vmem>>, vector<16xf32>,
    tpu.vector_store %arg5[%swap3A_35, %swap3A_36], %scan3A_9#6 {strides = array<i32>} : memref<8x16xf32, #tpu.memory_space<vmem>>, vector<16xf32>,
    %swap3A_38 = arith.constant 7 : i32
    %swap3A_39 = arith.index_cast %swap3A_38 : i32 to index
    %swap3A_40 = arith.constant 0 : index
    %swap3A_41 = tpu.vector_load %arg5[%swap3A_39, %swap3A_40] {strides = array<i32>} : memref<8x16xf32, #tpu.memory_space<vmem>>, vector<16xf32>,
    tpu.vector_store %arg5[%swap3A_39, %swap3A_40], %scan3A_9#7 {strides = array<i32>} : memref<8x16xf32, #tpu.memory_space<vmem>>, vector<16xf32>,
    "tpu.region"() ({
      %run_scoped3A = tpu.sem_alloc : memref<!tpu.dma_semaphore, #tpu.memory_space<semaphore_mem>>
      %dma_start3A = arith.constant 0 : i32
      %dma_start3A_42 = arith.constant 0 : i32
      %dma_start3A_43 = tpu.memref_slice %arg3[%add3A, %dma_start3A, %dma_start3A_42] : memref<32x8x16xf32, #tpu.memory_space<hbm>> -> memref<1x8x16xf32, #tpu.memory_space<hbm>>
      %dma_start3A_44 = tpu.memref_squeeze %dma_start3A_43 : memref<1x8x16xf32, #tpu.memory_space<hbm>> -> memref<8x16xf32, #tpu.memory_space<hbm>>
      %dma_start3A_45 = arith.constant 0 : i32
      %dma_start3A_46 = arith.constant 0 : i32
      %dma_start3A_47 = tpu.memref_slice %arg3[%add3A, %dma_start3A_45, %dma_start3A_46] : memref<32x8x16xf32, #tpu.memory_space<hbm>> -> memref<1x8x16xf32, #tpu.memory_space<hbm>>
      %dma_start3A_48 = tpu.memref_squeeze %dma_start3A_47 : memref<1x8x16xf32, #tpu.memory_space<hbm>> -> memref<8x16xf32, #tpu.memory_space<hbm>>
      tpu.enqueue_dma source(%arg5 : memref<8x16xf32, #tpu.memory_space<vmem>>) target(%dma_start3A_48 : memref<8x16xf32, #tpu.memory_space<hbm>>) target_semaphore(%run_scoped3A : memref<!tpu.dma_semaphore, #tpu.memory_space<semaphore_mem>>)
      %dma_wait3A = arith.constant 0 : i32
      %dma_wait3A_49 = arith.constant 0 : i32
      %dma_wait3A_50 = tpu.memref_slice %arg3[%add3A, %dma_wait3A, %dma_wait3A_49] : memref<32x8x16xf32, #tpu.memory_space<hbm>> -> memref<1x8x16xf32, #tpu.memory_space<hbm>>
      %dma_wait3A_51 = tpu.memref_squeeze %dma_wait3A_50 : memref<1x8x16xf32, #tpu.memory_space<hbm>> -> memref<8x16xf32, #tpu.memory_space<hbm>>
      %dma_wait3A_52 = arith.constant 0 : i32
      %dma_wait3A_53 = arith.constant 0 : i32
      %dma_wait3A_54 = tpu.memref_slice %arg3[%add3A, %dma_wait3A_52, %dma_wait3A_53] : memref<32x8x16xf32, #tpu.memory_space<hbm>> -> memref<1x8x16xf32, #tpu.memory_space<hbm>>
      %dma_wait3A_55 = tpu.memref_squeeze %dma_wait3A_54 : memref<1x8x16xf32, #tpu.memory_space<hbm>> -> memref<8x16xf32, #tpu.memory_space<hbm>>
      tpu.wait_dma2 semaphore(%run_scoped3A : memref<!tpu.dma_semaphore, #tpu.memory_space<semaphore_mem>>) src(%arg5 : memref<8x16xf32, #tpu.memory_space<vmem>>) dst(%dma_wait3A_55 : memref<8x16xf32, #tpu.memory_space<hbm>>)
      tpu.yield
    }) : () -> ()
    return
  }
}

module attributes {stable_mosaic.version = 14 : i64} {
  func.func @_finish_body(%arg0: memref<32x8x16xf32, #tpu.memory_space<vmem>>, %arg1: memref<1x1xf32, #tpu.memory_space<vmem>>) attributes {dimension_semantics = [], scalar_prefetch = 0 : i64, scratch_operands = 0 : i64, tpu.core_type = #tpu.core_type<tc>} {
    %get3A = arith.constant 0 : index
    %get3A_0 = arith.constant 0 : index
    %get3A_1 = arith.constant 0 : index
    %get3A_2 = vector.load %arg0[%get3A, %get3A_0, %get3A_1] : memref<32x8x16xf32, #tpu.memory_space<vmem>>, vector<32x8x16xf32>
    %slice3A = vector.extract_strided_slice %get3A_2 {offsets = [0, 0, 0], sizes = [32, 4, 16], strides = [1, 1, 1]} : vector<32x8x16xf32> to vector<32x4x16xf32>
    %reduce_sum3A = arith.constant dense<0.000000e+00> : vector<4x16xf32>
    %reduce_sum3A_3 = vector.multi_reduction <add>, %slice3A, %reduce_sum3A [0] : vector<32x4x16xf32> to vector<4x16xf32>
    %slice3A_4 = vector.extract_strided_slice %get3A_2 {offsets = [0, 4, 0], sizes = [32, 4, 16], strides = [1, 1, 1]} : vector<32x8x16xf32> to vector<32x4x16xf32>
    %reduce_sum3A_5 = arith.constant dense<0.000000e+00> : vector<4x16xf32>
    %reduce_sum3A_6 = vector.multi_reduction <add>, %slice3A_4, %reduce_sum3A_5 [0] : vector<32x4x16xf32> to vector<4x16xf32>
    %mul3A = arith.mulf %reduce_sum3A_3, %reduce_sum3A_6 : vector<4x16xf32>
    %reduce_sum3A_7 = vector.shape_cast %mul3A : vector<4x16xf32> to vector<1x4x16xf32>
    %reduce_sum3A_8 = arith.constant dense<0.000000e+00> : vector<1xf32>
    %reduce_sum3A_9 = vector.multi_reduction <add>, %reduce_sum3A_7, %reduce_sum3A_8 [1, 2] : vector<1x4x16xf32> to vector<1xf32>
    %reduce_sum3A_10 = vector.shape_cast %reduce_sum3A_9 : vector<1xf32> to vector<1x1x1xf32>
    %reduce_sum3A_11 = vector.extract %reduce_sum3A_10[0, 0, 0] : f32 from vector<1x1x1xf32>
    %mul3A_12 = arith.constant 9.53674295E-9 : f32
    %mul3A_13 = arith.mulf %reduce_sum3A_11, %mul3A_12 : f32
    %reshape3A = vector.broadcast %mul3A_13 : f32 to vector<1x1xf32>
    %swap3A = arith.constant 0 : index
    %swap3A_14 = arith.constant 0 : index
    %swap3A_15 = vector.load %arg1[%swap3A, %swap3A_14] : memref<1x1xf32, #tpu.memory_space<vmem>>, vector<1x1xf32>
    tpu.vector_store %arg1[%swap3A, %swap3A_14], %reshape3A {strides = array<i32>} : memref<1x1xf32, #tpu.memory_space<vmem>>, vector<1x1xf32>,
    return
  }
}

</mosaic_0001>

<sc_bundles>
// kernel: kernel.4.cloned.1.call-start
scs
__scs_entry_jumppad:
0x0: {  	(pc) =	sbr.rel $0x88, $3  }
0x1: {  	(tag) =	ssettag $0x0;
	lr =	simm.s32 $0x1  }
0x2: {  	[smem:$0x3FA0] =	sst lr;
	_ =	strace $0xD0000000  }
0x3: {  	_ = 	snop  }
0x4: {  	_ = 	snop  }
0x5: {  	_ = 	snop  }
0x6: {  	_ = 	snop  }
0x7: {  	_ = 	snop  }
__scs_overlays_trampoline_lowered:
0x8: {  	[smem:$0x3FAF] =	sst s0  }
0x9: {  	[smem:$0x3FB0] =	sst s1  }
0xa: {  	[smem:$0x3FB1] =	sst s2  }
0xb: {  	[smem:$0x3FB2] =	sst s3  }
0xc: {  	[smem:$0x3FB3] =	sst s4  }
0xd: {  	[smem:$0x3FB4] =	sst s5  }
0xe: {  	[smem:$0x3FB5] =	sst s6  }
0xf: {  	[smem:$0x3FB6] =	sst s7  }
0x10: {  	[smem:$0x3FB7] =	sst s8  }
0x11: {  	[smem:$0x3FB8] =	sst s9;
	s0 =	simm.s32 @!p0 $0x0  }
0x12: {  	s1 =	sld [smem:$0x3F9E];
	s0 =	simm.s32 @p0 $0x1  }
0x13: {  	[smem:$0x3FB9] =	sst s0;
	s0 =	simm.s32 @!p1 $0x0  }
0x14: {  	s2 =	sld [smem:$0x3F9D];
	s0 =	simm.s32 @p1 $0x1  }
0x15: {  	[smem:$0x3FBA] =	sst s0;
	s0 =	simm.s32 @!p2 $0x0  }
0x16: {  	s3 =	sld [smem:$0x3FDB];
	s0 =	simm.s32 @p2 $0x1  }
0x17: {  	s4 =	simm.s32 $0x1BF5;
	[smem:$0x3FBC] =	sst s0  }
0x18: {  	s0 =	sld [smem:$0x3F9F];
	_ =	swait.ge [sflag:s4], $0x0  }
0x19: {  	s7 =	sld [smem:$0x3FA0]  }
0x1a: {  	s8 =	sadd.s32 $0xFFFFE003, lr  }
0x1b: {  	s9 =	sadd.s32 $0xFFFFFEF7, lr;
	s5 =	simm.s32 $0xFFFFFFFF;
	p2 =	slt.u32 s8, $0xFFFFF086  }
0x1c: {  	p1 =	slt.u32 s9, $0xF7A;
	s5 =	simm.s32 @!p2 $0x0  }
0x1d: {  	s5 =	simm.s32 @p1 $0x1;
	p0 =	seq.s32 s7, s2  }
0x1e: {  	s7 =	smul.u32 @!p0 $0xF7A, s2;
	p2 =	seq.s32 @!p0 s5, $0x0  }
0x1f: {  	s9 =	smul.u32 $0xF7A, s1;
	s8 =	simm.s32 @!p0 $0x1BF5;
	p2 =	por !p2, p0  }
0x20: {  	[sflag:s8] =	ssyncset.s32 @!p0 $0xFFFFF086;
	s6 =	sadd.s32 @!p0 s3, s7;
	s7 =	simm.s32 @!p0 $0x108  }
0x21: {  	s3 =	sadd.s32 s3, s9;
	s6 =	sadd.s32 @!p0 $0x88, s6;
	s7 =	simm.s32 @p2 $0x1082  }
0x22: {  	[simem:s7], [sflag:s8] =	dma.local @!p0 [hbm:s6], $0xF7A  }
0x23: {  	s9 =	sor.u32 $0xD0000000, s2;
	s6 =	simm.s32 $0x108;
	_ =	swait.ge @!p0 [sflag:s8], $0x0  }
0x24: {  	s3 =	sadd.s32 $0x88, s3;
	s6 =	simm.s32 @!p1 $0x1082;
	[sflag:s4] =	ssyncset.s32 $0xFFFFF086  }
0x25: {  	[simem:s6], [sflag:s4] =	dma.local [hbm:s3], $0xF7A  }
0x26: {  	[smem:$0x3FA0] =	sst s1;
	(tag) =	ssettag s2;
	_ =	strace s9  }
0x27: {  	s1 =	sld [smem:$0x3FB0]  }
0x28: {  	s2 =	sld [smem:$0x3FB1]  }
0x29: {  	s4 =	sld [smem:$0x3FB3]  }
0x2a: {  	p0 =	seq.s32 s5, $0x0;
	s5 =	sld [smem:$0x3FB4]  }
0x2b: {  	s6 =	sld [smem:$0x3FB5]  }
0x2c: {  	s7 =	sld [smem:$0x3FB6]  }
0x2d: {  	s3 =	simm.s32 $0x108;
	s8 =	sld [smem:$0x3FB7]  }
0x2e: {  	s3 =	simm.s32 @!p0 $0x1082;
	s9 =	sld [smem:$0x3FB8]  }
0x2f: {  	lr =	sadd.s32 s0, s3;
	s0 =	sld [smem:$0x3FAF]  }
0x30: {  	s3 =	sld [smem:$0x3FB2]  }
0x31: {  	[smem:$0x3FBB] =	sst s10  }
0x32: {  	s10 =	sld [smem:$0x3FB9];
	_ =	sdelay $0x3  }
0x33: {  	p0 =	seq.s32 s10, $0x1;
	s10 =	sld [smem:$0x3FBB];
	_ =	sdelay $0x3  }
0x34: {  	[smem:$0x3FBB] =	sst s10  }
0x35: {  	s10 =	sld [smem:$0x3FBA];
	_ =	sdelay $0x3  }
0x36: {  	p1 =	seq.s32 s10, $0x1;
	s10 =	sld [smem:$0x3FBB];
	_ =	sdelay $0x3  }
0x37: {  	[smem:$0x3FBB] =	sst s10  }
0x38: {  	s10 =	sld [smem:$0x3FBC]  }
0x39: {  	_ = 	snop;
	(pc) =	sbr.ind lr, $3  }
0x3a: {  	_ = 	snop  }
0x3b: {  	_ = 	snop  }
0x3c: {  	p2 =	seq.s32 s10, $0x1;
	s10 =	sld [smem:$0x3FBB]  }
0x3d: {  	_ =	shalt  }
0x3e: {  	_ =	shalt  }
0x3f: {  	_ =	shalt  }
0x40: {  	_ =	shalt  }
0x41: {  	_ =	shalt  }
0x42: {  	_ =	shalt  }
0x43: {  	_ =	shalt  }
0x44: {  	_ =	shalt  }
0x45: {  	_ =	shalt  }
0x46: {  	_ =	shalt  }
0x47: {  	_ =	shalt  }
0x48: {  	_ =	shalt  }
0x49: {  	_ =	shalt  }
0x4a: {  	_ =	shalt  }
0x4b: {  	_ =	shalt  }
0x4c: {  	_ =	shalt  }
0x4d: {  	_ =	shalt  }
0x4e: {  	_ =	shalt  }
0x4f: {  	_ =	shalt  }
0x50: {  	_ =	shalt  }
0x51: {  	_ =	shalt  }
0x52: {  	_ =	shalt  }
0x53: {  	_ =	shalt  }
0x54: {  	_ =	shalt  }
0x55: {  	_ =	shalt  }
0x56: {  	_ =	shalt  }
0x57: {  	_ =	shalt  }
0x58: {  	_ =	shalt  }
0x59: {  	_ =	shalt  }
0x5a: {  	_ =	shalt  }
0x5b: {  	_ =	shalt  }
0x5c: {  	_ =	shalt  }
0x5d: {  	_ =	shalt  }
0x5e: {  	_ =	shalt  }
0x5f: {  	_ =	shalt  }
0x60: {  	_ =	shalt  }
0x61: {  	_ =	shalt  }
0x62: {  	_ =	shalt  }
0x63: {  	_ =	shalt  }
0x64: {  	_ =	shalt  }
0x65: {  	_ =	shalt  }
0x66: {  	_ =	shalt  }
0x67: {  	_ =	shalt  }
0x68: {  	_ =	shalt  }
0x69: {  	_ =	shalt  }
0x6a: {  	_ =	shalt  }
0x6b: {  	_ =	shalt  }
0x6c: {  	_ =	shalt  }
0x6d: {  	_ =	shalt  }
0x6e: {  	_ =	shalt  }
0x6f: {  	_ =	shalt  }
0x70: {  	_ =	shalt  }
0x71: {  	_ =	shalt  }
0x72: {  	_ =	shalt  }
0x73: {  	_ =	shalt  }
0x74: {  	_ =	shalt  }
0x75: {  	_ =	shalt  }
0x76: {  	_ =	shalt  }
0x77: {  	_ =	shalt  }
0x78: {  	_ =	shalt  }
0x79: {  	_ =	shalt  }
0x7a: {  	_ =	shalt  }
0x7b: {  	_ =	shalt  }
0x7c: {  	_ =	shalt  }
0x7d: {  	_ =	shalt  }
0x7e: {  	_ =	shalt  }
0x7f: {  	_ =	shalt  }
0x80: {  	_ =	shalt  }
0x81: {  	_ =	shalt  }
0x82: {  	_ =	shalt  }
0x83: {  	_ =	shalt  }
0x84: {  	_ =	shalt  }
0x85: {  	_ =	shalt  }
0x86: {  	_ =	shalt  }
0x87: {  	_ =	shalt  }
.Lfunc_end0:
.L_simem_size_0:
called_computation_lowered:
.L_overlay_start_0:
0x88: {  	s2 =	sld [smem:$0x3FD9]  }
0x89: {  	s3 =	sld [smem:$0x3FFE];
	_ =	sdelay $0x1  }
0x8a: {  	s1 =	srdreg.scid  }
0x8b: {  	s0 =	sand.u32 $0x1, s1  }
0x8c: {  	s16 =	sshll.u32 s0, $0xA;
	s2 =	sadd.s32 s3, s2  }
0x8d: {  	s2 =	sadd.s32 s2, s16  }
0x8e: {  	[smem:$0x3FC7] =	sst s2  }
0x8f: {  	_ = 	snop  }
0x90: {  	(tm) =	ssettm $0x1  }
0x91: {  	s17 =	sld [smem:$0x3FFB];
	_ =	sdelay $0x3  }
0x92: {  	_ =	strace s17  }
0x93: {  	s2 =	sld [smem:$0x3FFC];
	_ =	sdelay $0x3  }
0x94: {  	_ =	strace s2  }
0x95: {  	s2 =	sld [smem:$0x3FFD];
	_ =	sdelay $0x3  }
0x96: {  	_ =	strace s2  }
0x97: {  	_ =	strace $0x8FFFFFFF  }
0x98: {  	s18 =	sld [smem:$0x3FDB];
	_ =	sdelay $0x1  }
0x99: {  	s19 =	simm.s32 $_scs_section_size  }
0x9a: {  	s4 =	simm.s32 $_size__tile_overlayer_lowered;
	s5 =	simm.s32 $_tile_overlayer_lowered  }
0x9b: {  	s22 =	simm.s32 $0x1BFF;
	s21 =	sshll.u32 s5, $0x1;
	s2 =	sadd.s32 s19, s18  }
0x9c: {  	s6 =	simm.s32 $0x0;
	s20 =	sshll.u32 s4, $0x1;
	s4 =	sadd.s32 s21, s2  }
0x9d: {  	[timem:s6], [sflag:s22] =	dma.local [hbm:s4], s20  }
0x9e: {  	_ =	swait.ge [sflag:s22], s20  }
0x9f: {  	s3 =	ssub.s32 $0x0, s20;
	[sflag:s22] =	ssyncset.done $0x0  }
0xa0: {  	[sflag:s22] =	ssyncadd.s32 s3;
	_ =	sdelay $0x1  }
0xa1: {  	s23 =	simm.s32 $0x1B8B  }
0xa2: {  	_ =	swait.ge [sflag:s23], $0x1  }
0xa3: {  	[sflag:s23] =	ssyncset.done $0x0  }
0xa4: {  	s25 =	simm.s32 $0x1B8E;
	s24 =	sld [smem:$0x3FFE];
	[sflag:s23] =	ssyncadd.s32 $0xFFFFFFFF  }
0xa5: {  	s26 =	simm.s32 $execute0_lowered;
	[smem:$0x3FD2] =	sst s25  }
0xa6: {  	s4 =	sshll.u32 s26, $0x1;
	_ =	strace $0x80000046;
	[dreg:$0x1] =	wrdreg $0xFFFFFFFF  }
0xa7: {  	s28 =	simm.s32 $_size_execute0_lowered;
	s2 =	sadd.s32 s2, s4;
	[dreg:$0x0] =	wrdreg $0x0  }
0xa8: {  	s4 =	sshll.u32 s28, $0x1;
	[dreg:$0x2] =	wrdreg s2  }
0xa9: {  	[dreg:$0x3] =	wrdreg s4  }
0xaa: {  	[dreg:$0x4] =	wrdreg $0xC0  }
0xab: {  	_ =	task [dreg:s6], $0x5FFFF  }
0xac: {  	[dreg:$0x1] =	wrdreg $0xFFFFFFFF  }
0xad: {  	[dreg:$0x0] =	wrdreg $0x60  }
0xae: {  	[dreg:$0x2] =	wrdreg s24  }
0xaf: {  	[dreg:$0x3] =	wrdreg $0x9  }
0xb0: {  	_ =	task.clear_ibuf [dreg:s6], $0x4FFFF;
	_ =	strace $0x90000046  }
0xb1: {  	s29 =	simm.s32 $0x9;
	_ =	strace $0x80000048  }
0xb2: {  	_ =	swait.ge [sflag:s29], $0x1  }
0xb3: {  	[sflag:s29] =	ssyncadd.s32 $0xFFFFFFFF  }
0xb4: {  	_ =	strace $0x90000048  }
0xb5: {  	_ =	sfence  }
0xb6: {  	s30 =	sld [smem:$0x0];
	_ =	sdelay $0x2  }
0xb7: {  	s31 =	sshll.u32 s1, $0xD;
	s1 =	sshrl.u32 s1, $0x2  }
0xb8: {  	s3 =	sand.u32 $0x4000, s31;
	s1 =	sadd.s32 s1, s30  }
0xb9: {  	s0 =	sor.u32 s3, s0;
	s1 =	sshll.u32 s1, $0x11  }
0xba: {  	s0 =	sor.u32 s1, s0  }
0xbb: {  	s0 =	sadd.s32 $0x8F2B, s0  }
0xbc: {  	[sflag:s0] =	ssyncadd.remote.s32 $0x1  }
0xbd: {  	_ =	sfence.sel $0xFFFF  }
0xbe: {  	[dreg:$0x0] =	wrdreg $0xFFFFFFFF;
	(pc) =	sbr.abs _section_cstart, $3  }
0xbf: {  	[dreg:$0x1] =	wrdreg $0xFFFFFFFF  }
0xc0: {  	_ =	task.clear_ibuf [dreg:s6], $0x2FFFF;
	_ =	strace $0x9FFFFFFF  }
0xc1: {  	(tm) =	ssettm $0x7FFFFFFF  }
tec
execute0_lowered:
.L_overlay_start_1:
0x0: {  	(tag) =	ssettag $0x1  }
0x1: {  	s3 =	rddreg [dreg:$0x0]  }
0x2: {  	s0 =	rddreg [dreg:$0x1]  }
0x3: {  	s2 =	simm.s32 $0x0;
	s4 =	srdreg.scid;
	s1 =	stileid.u32  }
0x4: {  	[smem:$0x7FF] =	sst s2;
	s4 =	sand.u32 $0x1, s4;
	s5 =	sshll.u32 s1, $0x1  }
0x5: {  	s8 =	simm.s32 $0x0;
	_ =	strace $0x80000047;
	s5 =	sor.u32 s4, s5  }
0x6: {  	v0 =	vlaneseq.u32;
	s4 =	ssub.s32 $0x2, s4;
	s6 =	sshll.u32 s5, $0xB;
	s5 =	sshll.u32 s5, $0x7  }
0x7: {  	v0 =	vmul.u32 $0xFFFFFFFF, v0;
	s7 =	sshrl.u32 s4, $0x1;
	s6 =	sadd.s32 s6, s3;
	s5 =	sadd.s32 s5, s3  }
0x8: {  	s7 =	ssub.s32 s4, s7;
	s3 =	sadd.s32 $0x600, s6;
	s4 =	sadd.s32 $0x10600, s5  }
0x9: {  	v1 =	vimm.f32 $0.0e+00;
	v0 =	vadd.s32 $0xF, v0;
	s5 =	smax.u32 s7, $0x1;
	s6 =	simm.s32 $0x1;
	s7 =	simm.s32 $0x4000  }
.LBB2_1:
0xa: {  	[tilespmem:s2], [sflag:$0x1] =	stream.linear.gather [hbm4b:s3+s2], $0x4000, $0x38;
	[tilespmem:$0x4400] =	vst v63  }
0xb: {  	_ =	swait.ge [sflag:s6], $0x4000  }
0xc: {  	[sflag:s6] =	ssyncset.done $0x0  }
0xd: {  	s9 =	simm.s32 $0x0;
	[sflag:s6] =	ssyncadd.s32 $0xFFFFC000  }
0xe: {  	v2 =	vld [tilespmem:s9+$0x10]  }
0xf: {  	v3 =	vld [tilespmem:s9+$0x30]  }
0x10: {  	v4 =	vld [tilespmem:s9+$0x0]  }
0x11: {  	v5 =	vld [tilespmem:s9+$0x20];
	_ =	sdelay $0x1  }
0x12: {  	v2 =	vmul.f32 $1.442695020e+00, v2  }
0x13: {  	v3 =	vmul.f32 $1.442695020e+00, v3  }
0x14: {  	v4 =	vmul.f32 $1.442695020e+00, v4;
	(erf) = vpow2.f32 v2  }
0x15: {  	v2 =	vmul.f32 $1.442695020e+00, v5;
	v5 =	vld [tilespmem:s9+$0x40];
	(erf) = vpow2.f32 v3  }
0x16: {  	v3 =	vld [tilespmem:s9+$0x50];
	(erf) = vpow2.f32 v4  }
0x17: {  	v4 =	vld [tilespmem:s9+$0x60];
	(erf) = vpow2.f32 v2  }
0x18: {  	v2 =	vld [tilespmem:s9+$0x70];
	_ =	sdelay $0x1  }
0x19: {  	v5 =	vmul.f32 $1.442695020e+00, v5  }
0x1a: {  	v3 =	vmul.f32 $1.442695020e+00, v3  }
0x1b: {  	v4 =	vmul.f32 $1.442695020e+00, v4;
	(erf) = vpow2.f32 v5  }
0x1c: {  	v2 =	vmul.f32 $1.442695020e+00, v2;
	v10 =	vpop (erf);
	(erf) = vpow2.f32 v3  }
0x1d: {  	v17 =	vpop (erf);
	(erf) = vpow2.f32 v4  }
0x1e: {  	(xrf1) =	vsort.ascd.msk.f32 $0xffff, v17, v17;
	v19 =	vpop (erf);
	(erf) = vpow2.f32 v2  }
0x1f: {  	(xrf1) =	vsort.ascd.msk.f32 $0xffff, v10, v10;
	v20 =	vpop (erf)  }
0x20: {  	(xrf1) =	vsort.ascd.msk.f32 $0xffff, v20, v20;
	_ =	sdelay $0x2  }
0x21: {  	(xrf1) =	vsort.ascd.msk.f32 $0xffff, v19, v19  }
0x22: {  	v30 =	vpop (erf)  }
0x23: {  	v32 =	vpop (erf)  }
0x24: {  	v33 =	vpop (erf)  }
0x25: {  	(xrf1) =	vsort.ascd.msk.f32 $0xffff, v32, v32;
	v31 =	vpop (erf)  }
0x26: {  	(xrf1) =	vsort.ascd.msk.f32 $0xffff, v31, v31  }
0x27: {  	v2 =	vadd.f32 v32, v30  }
0x28: {  	(xrf1) =	vsort.ascd.msk.f32 $0xffff, v33, v33  }
0x29: {  	v2 =	vadd.f32 v33, v2  }
0x2a: {  	v3, _, _ =	vpop (xrf1)  }
0x2b: {  	v2 =	vadd.f32 v31, v2;
	v4, _, _ =	vpop (xrf1);
	v3 =	vperm.xlane v3, v0  }
0x2c: {  	(xrf1) =	vsort.ascd.msk.f32 $0xffff, v30, v30;
	v5, _, _ =	vpop (xrf1)  }
0x2d: {  	(xrf2) =	vadd.scan.msk.f32 $0xffff, v2;
	v2 =	vmin.f32 v5, v3  }
0x2e: {  	(xrf1) =	vsort.ascd.msk.f32 $0xffff, v2, v2;
	v2 =	vperm.xlane v4, v0  }
0x2f: {  	v3 =	vmax.f32 v5, v3;
	v4, _, _ =	vpop (xrf1)  }
0x30: {  	(xrf1) =	vsort.ascd.msk.f32 $0xffff, v3, v3;
	v3 =	vmax.f32 v4, v2;
	_ =	sdelay $0x1  }
0x31: {  	v2 =	vmin.f32 v4, v2;
	(xrf1) =	vsort.ascd.msk.f32 $0xffff, v3, v3  }
0x32: {  	(xrf1) =	vsort.ascd.msk.f32 $0xffff, v2, v2;
	v2 =	vadd.f32 v10, v19;
	v3, _, _ =	vpop (xrf1)  }
0x33: {  	v4, _, _ =	vpop (xrf1)  }
0x34: {  	s23 =	simm.s32 $0x80;
	v2 =	vadd.f32 v20, v2;
	v4 =	vperm.xlane v4, v0  }
0x35: {  	v5 =	vld [tilespmem:s23+$0x10];
	v6, _, _ =	vpop (xrf1)  }
0x36: {  	v7 =	vadd.f32 v17, v2;
	v8 =	vmax.f32 v6, v4  }
0x37: {  	v11 =	vld [tilespmem:s23+$0x30];
	(xrf1) =	vsort.ascd.msk.f32 $0xffff, v8, v8  }
0x38: {  	v3 =	vperm.xlane v3, v0;
	v4 =	vmin.f32 v6, v4;
	v2, _, _ =	vpop (xrf2);
	(xrf2) =	vadd.scan.msk.f32 $0xffff, v7  }
0x39: {  	v6, _, _ =	vpop (xrf1);
	v9 =	vbroadcast v2, $0xF;
	(xrf1) =	vsort.ascd.msk.f32 $0xffff, v4, v4  }
0x3a: {  	v5 =	vmul.f32 $1.442695020e+00, v5;
	v8 =	vmin.f32 v6, v3;
	v7 =	vld [tilespmem:s23+$0x0]  }
0x3b: {  	v3 =	vmax.f32 v6, v3;
	v4 =	vld [tilespmem:s23+$0x20];
	(xrf1) =	vsort.ascd.msk.f32 $0xffff, v8, v8;
	(erf) = vrcp.f32 v9  }
0x3c: {  	v8 =	vld [tilespmem:s23+$0x40];
	(xrf1) =	vsort.ascd.msk.f32 $0xffff, v3, v3;
	v3 =	vmul.f32 $1.442695020e+00, v11;
	(erf) = vpow2.f32 v5;
	_ =	sdelay $0x1  }
0x3d: {  	v9 =	vld [tilespmem:s23+$0x50];
	v6, _, _ =	vpop (xrf1);
	(erf) = vpow2.f32 v3  }
0x3e: {  	v5, _, _ =	vpop (xrf1);
	v3 =	vperm.xlane v6, v0;
	v6 =	vmul.f32 $1.442695020e+00, v7  }
0x3f: {  	v5 =	vperm.xlane v5, v0;
	v4 =	vmul.f32 $1.442695020e+00, v4;
	v11, _, _ =	vpop (xrf1)  }
0x40: {  	(erf) = vpow2.f32 v6;
	v8 =	vmul.f32 $1.442695020e+00, v8;
	v7, _, _ =	vpop (xrf1);
	v15 =	vmax.f32 v11, v3  }
0x41: {  	v3 =	vmin.f32 v11, v3;
	v11 =	vld [tilespmem:s23+$0x60];
	v12 =	vmin.f32 v7, v5;
	v7 =	vmax.f32 v7, v5  }
0x42: {  	(erf) = vpow2.f32 v4;
	v4 =	vmul.f32 $1.442695020e+00, v9;
	v5 =	vmin.f32 v7, v15;
	v18, _, _ =	vpop (xrf2)  }
0x43: {  	v9 =	vld [tilespmem:s23+$0x70];
	v13 =	vmin.f32 v12, v3;
	v3 =	vmax.f32 v12, v3;
	(xrf1) =	vsort.ascd.msk.f32 $0xffff, v5, v5;
	v5 =	vbroadcast v18, $0xF;
	v6 =	vpop (erf)  }
0x44: {  	v14 =	vpop (erf)  }
0x45: {  	(erf) = vpow2.f32 v8;
	(xrf1) =	vsort.ascd.msk.f32 $0xffff, v13, v13;
	v8, _, _ =	vpop (xrf1)  }
0x46: {  	(erf) = vpow2.f32 v4;
	v4 =	vmul.f32 $1.442695020e+00, v11;
	(xrf1) =	vsort.ascd.msk.f32 $0xffff, v3, v3;
	v3, _, _ =	vpop (xrf1)  }
0x47: {  	(erf) = vrcp.f32 v5;
	v5 =	vpop (erf)  }
0x48: {  	v12 =	vmul.f32 $1.442695020e+00, v9;
	(erf) = vpow2.f32 v4;
	v11, _, _ =	vpop (xrf1)  }
0x49: {  	v4 =	vperm.xlane v8, v0;
	v3 =	vperm.xlane v3, v0;
	(xrf1) =	vsort.ascd.msk.f32 $0xffff, v5, v5;
	v9 =	vpop (erf)  }
0x4a: {  	(erf) = vpow2.f32 v12;
	v16, _, _ =	vpop (xrf1);
	(xrf1) =	vsort.ascd.msk.f32 $0xffff, v14, v14  }
0x4b: {  	v13 =	vpop (erf);
	v21 =	vmin.f32 v11, v4;
	v29 =	vmax.f32 v11, v4;
	v12 =	vmin.f32 v16, v3  }
0x4c: {  	(xrf1) =	vsort.ascd.msk.f32 $0xffff, v13, v13;
	v26 =	vmax.f32 v16, v3;
	v4 =	vmin.f32 v21, v12  }
0x4d: {  	v11 =	vmin.f32 v29, v26;
	(xrf1) =	vsort.ascd.msk.f32 $0xffff, v4, v4  }
0x4e: {  	v3 =	vpop (erf);
	(xrf1) =	vsort.ascd.msk.f32 $0xffff, v11, v11  }
0x4f: {  	v8 =	vpop (erf);
	v11 =	vmax.f32 v21, v12;
	(xrf1) =	vsort.ascd.msk.f32 $0xffff, v9, v9  }
0x50: {  	v4 =	vpop (erf);
	v12 =	vadd.f32 v8, v3;
	(xrf1) =	vsort.ascd.msk.f32 $0xffff, v11, v11  }
0x51: {  	v21 =	vpop (erf)  }
0x52: {  	v23, _, _ =	vpop (xrf1);
	v12 =	vadd.f32 v21, v12  }
0x53: {  	v11 =	vpop (erf);
	(xrf2) =	vadd.scan.msk.f32 $0xffff, v23  }
0x54: {  	v27, _, _ =	vpop (xrf1);
	(xrf1) =	vsort.ascd.msk.f32 $0xffff, v8, v8;
	v12 =	vadd.f32 v11, v12  }
0x55: {  	v22, _, _ =	vpop (xrf1);
	(xrf1) =	vsort.ascd.msk.f32 $0xffff, v11, v11  }
0x56: {  	(xrf2) =	vadd.scan.msk.f32 $0xffff, v22  }
0x57: {  	(xrf2) =	vadd.scan.msk.f32 $0xffff, v12  }
0x58: {  	(xrf1) =	vsort.ascd.msk.f32 $0xffff, v21, v21;
	v12, _, _ =	vpop (xrf1)  }
0x59: {  	v28, _, _ =	vpop (xrf1)  }
0x5a: {  	v7 =	vmax.f32 v7, v15;
	(xrf1) =	vsort.ascd.msk.f32 $0xffff, v3, v3;
	v12 =	vperm.xlane v12, v0;
	v16, _, _ =	vpop (xrf1)  }
0x5b: {  	(xrf1) =	vsort.ascd.msk.f32 $0xffff, v7, v7;
	v15, _, _ =	vpop (xrf1)  }
0x5c: {  	v7 =	vmin.f32 v16, v12;
	v25, _, _ =	vpop (xrf1)  }
0x5d: {  	(xrf1) =	vsort.ascd.msk.f32 $0xffff, v7, v7;
	v7 =	vmax.f32 v16, v12;
	v12 =	vperm.xlane v28, v0;
	v34, _, _ =	vpop (xrf1)  }
0x5e: {  	(xrf1) =	vsort.ascd.msk.f32 $0xffff, v7, v7;
	v28, _, _ =	vpop (xrf1)  }
0x5f: {  	v24, _, _ =	vpop (xrf2);
	v7 =	vmax.f32 v34, v12;
	(xrf2) =	vadd.scan.msk.f32 $0xffff, v28  }
0x60: {  	s24 =	simm.s32 $0x100;
	(xrf1) =	vsort.ascd.msk.f32 $0xffff, v7, v7;
	v16, _, _ =	vpop (xrf2)  }
0x61: {  	v35 =	vadd.f32 v14, v9;
	v12 =	vmin.f32 v34, v12;
	v7 =	vmax.f32 v29, v26;
	v29 =	vld [tilespmem:s24+$0x10];
	(xrf2) =	vadd.scan.msk.f32 $0xffff, v15;
	v37, _, _ =	vpop (xrf2)  }
0x62: {  	v36, _, _ =	vpop (xrf1);
	(xrf1) =	vsort.ascd.msk.f32 $0xffff, v12, v12  }
0x63: {  	v12 =	vadd.f32 v13, v35;
	v51 =	vbroadcast v37, $0xF  }
0x64: {  	v41 =	vld [tilespmem:s24+$0x40];
	v26, _, _ =	vpop (xrf1)  }
0x65: {  	(xrf1) =	vsort.ascd.msk.f32 $0xffff, v7, v7;
	v12 =	vadd.f32 v5, v12;
	v26 =	vperm.xlane v26, v0;
	(erf) = vrcp.f32 v51  }
0x66: {  	(v2sf) =	vpush v2, $0xF;
	v7, _, _ =	vpop (xrf1);
	v29 =	vmul.f32 $1.442695020e+00, v29  }
0x67: {  	(xrf2) =	vadd.scan.msk.f32 $0xffff, v12;
	v12 =	vld [tilespmem:s24+$0x30];
	v52 =	vmax.f32 v7, v26  }
0x68: {  	v53, _, _ =	vpop (xrf1);
	(erf) = vpow2.f32 v29;
	v29 =	vld [tilespmem:s24+$0x0];
	(xrf1) =	vsort.ascd.msk.f32 $0xffff, v52, v52  }
0x69: {  	v41 =	vmul.f32 $1.442695020e+00, v41;
	v7 =	vmin.f32 v7, v26;
	v26 =	vperm.xlane v36, v0;
	(xrf2) =	vadd.scan.msk.f32 $0xffff, v27;
	v35, _, _ =	vpop (xrf1)  }
0x6a: {  	(v2sf) =	vpush v18, $0xF;
	v39 =	vmul.f32 v6, v33;
	v40 =	vmul.f32 v6, v30;
	(xrf1) =	vsort.ascd.msk.f32 $0xffff, v7, v7;
	v38, _, _ =	vpop (xrf2)  }
0x6b: {  	v59 =	vmul.f32 v6, v31;
	v60 =	vmul.f32 v6, v32;
	v7 =	vld [tilespmem:s24+$0x20];
	v36 =	vmin.f32 v53, v26;
	(xrf2) =	vadd.scan.msk.f32 $0xffff, v25;
	v54, _, _ =	vpop (xrf1)  }
0x6c: {  	v18 =	vmul.f32 v4, v19;
	v26 =	vmax.f32 v53, v26;
	(xrf1) =	vsort.ascd.msk.f32 $0xffff, v36, v36;
	v2 =	vmul.f32 $1.442695020e+00, v12;
	v42, _, _ =	vpop (xrf2)  }
0x6d: {  	v58 =	vmul.f32 v4, v10;
	(v2sf) =	vpush v24, $0xF;
	(xrf1) =	vsort.ascd.msk.f32 $0xffff, v26, v26;
	v12, _, _ =	vpop (xrf1);
	v29 =	vmul.f32 $1.442695020e+00, v29  }
0x6e: {  	v43 =	vld [tilespmem:s24+$0x50];
	(v2sf) =	vpush v16, $0xF;
	(erf) = vpow2.f32 v2;
	v2 =	vperm.xlane v54, v0;
	v36 =	vpop (erf)  }
0x6f: {  	(v2sf) =	vpush v37, $0xF;
	v26 =	vmul.f32 v4, v20;
	v12 =	vperm.xlane v12, v0;
	v44, _, _ =	vpop (xrf1)  }
0x70: {  	v7 =	vmul.f32 $1.442695020e+00, v7;
	(erf) = vpow2.f32 v29;
	v46 =	vmax.f32 v44, v2;
	v55, _, _ =	vpop (xrf1)  }
0x71: {  	v47 =	vld [tilespmem:s24+$0x60];
	v45 =	vmin.f32 v55, v12;
	v34 =	vmax.f32 v55, v12;
	v12 =	vmin.f32 v44, v2;
	v44, _, _ =	vpop (xrf2)  }
0x72: {  	(v2sf) =	vpush v38, $0xF;
	v62 =	vbroadcast v42, $0xF;
	(erf) = vpow2.f32 v7;
	v2 =	vpop (erf)  }
0x73: {  	v7 =	vmul.f32 $1.442695020e+00, v43;
	(erf) = vpow2.f32 v41;
	v37, _, _ =	vpop (xrf1);
	v29 =	vmin.f32 v34, v46  }
0x74: {  	v48 =	vmin.f32 v45, v12;
	v12 =	vmax.f32 v45, v12;
	v43, _, _ =	vpop (xrf2);
	v57 =	vbroadcast v44, $0xF;
	(xrf1) =	vsort.ascd.msk.f32 $0xffff, v29, v29  }
0x75: {  	s25 =	spop (v2sf);
	(erf) = vpow2.f32 v7;
	v7 =	vadd.f32 v18, v1;
	v29 =	vld [tilespmem:s24+$0x70];
	(v2sf) =	vpush v43, $0xF;
	(xrf1) =	vsort.ascd.msk.f32 $0xffff, v48, v48;
	v50, _, _ =	vpop (xrf2)  }
0x76: {  	s11 =	smul.f32 $2.000000030e-01, s25;
	v18 =	vadd.f32 v26, v1;
	v26 =	vmul.f32 $1.442695020e+00, v47;
	(v2sf) =	vpush v42, $0xF;
	(xrf1) =	vsort.ascd.msk.f32 $0xffff, v12, v12;
	v56, _, _ =	vpop (xrf1)  }
0x77: {  	(erf) = vrcp.f32 v57;
	v12 =	vmul.f32 v4, v17;
	v4 =	vpop (erf)  }
0x78: {  	vm0 =	vge.f32 v42, s11;
	(v2sf) =	vpush v50, $0xF;
	(erf) = vpow2.f32 v26;
	v49, _, _ =	vpop (xrf1)  }
0x79: {  	v54 =	vnsel vm0, $0x7F61B1E6, v15;
	v15 =	vadd.f32 v62, v38;
	(xrf2) =	vadd.scan.msk.f32 $0xffff, v35;
	v6 =	vpop (erf);
	v45 =	vperm.xlane v56, v0  }
0x7a: {  	(xrf2) =	vadd.scan.msk.f32 $0xffff, v37;
	v40 =	vadd.f32 v40, v7;
	v51, _, _ =	vpop (xrf1);
	v29 =	vmul.f32 $1.442695020e+00, v29;
	v26 =	vperm.xlane v49, v0  }
0x7b: {  	v39 =	vadd.f32 v39, v18;
	v12 =	vadd.f32 v12, v1;
	(xrf1) =	vsort.ascd.msk.f32 $0xffff, v4, v4;
	v52, _, _ =	vpop (xrf1)  }
0x7c: {  	(xrf1) =	vsort.ascd.msk.f32 $0xffff, v2, v2;
	v7 =	vpop (erf);
	v61 =	vmin.f32 v51, v45;
	(erf) = vpow2.f32 v29;
	v29 =	vmin.f32 v52, v26  }
0x7d: {  	(xrf1) =	vsort.ascd.msk.f32 $0xffff, v7, v7;
	v52 =	vmax.f32 v52, v26;
	v26 =	vmin.f32 v61, v29  }
0x7e: {  	s26 =	spop (v2sf);
	v48 =	vadd.f32 v58, v1;
	v45 =	vmax.f32 v51, v45;
	v18 =	vpop (erf);
	(xrf1) =	vsort.ascd.msk.f32 $0xffff, v26, v26  }
0x7f: {  	s10 =	smul.f32 $2.000000030e-01, s26;
	vm1 =	vge.f32 v15, s11;
	v41 =	vadd.f32 v59, v12;
	v12 =	vpop (erf);
	v53 =	vmin.f32 v45, v52  }
0x80: {  	s12 =	spop (v2sf);
	v34 =	vmax.f32 v34, v46;
	v63 =	vbroadcast v43, $0xF;
	v47 =	vadd.f32 v60, v48;
	v42 =	vpop (erf);
	(xrf1) =	vsort.ascd.msk.f32 $0xffff, v53, v53  }
0x81: {  	s13 =	spop (v2sf);
	vm0 =	vge.f32 v43, s10;
	v59 =	vadd.f32 v2, v6;
	v57 =	vmax.f32 v61, v29;
	(xrf1) =	vsort.ascd.msk.f32 $0xffff, v6, v6;
	v15 =	vpop (erf)  }
0x82: {  	s9 =	spop (v2sf);
	v48 =	vmul.f32 v36, v21;
	(v2sf) =	vpush v44, $0xF;
	v60 =	vadd.f32 v63, v16;
	(xrf1) =	vsort.ascd.msk.f32 $0xffff, v57, v57;
	v26, _, _ =	vpop (xrf1)  }
0x83: {  	v16 =	vnsel vm1, $0x7F61B1E6, v28;
	s14 =	spop (v2sf);
	v43 =	vadd.f32 v7, v59;
	v58 =	vadd.f32 v12, v18;
	v29, _, _ =	vpop (xrf1);
	(xrf2) =	vadd.scan.msk.f32 $0xffff, v26  }
0x84: {  	v49 =	vmul.f32 v36, v3;
	v51 =	vmin.f32 v54, v16;
	v52 =	vmax.f32 v45, v52;
	s15 =	spop (v2sf);
	v28, _, _ =	vpop (xrf1)  }
0x85: {  	v53 =	vnsel vm0, $0x7F61B1E6, v27;
	v55 =	vadd.f32 v4, v43;
	v44 =	vadd.f32 v15, v58;
	s16 =	spop (v2sf);
	(xrf2) =	vadd.scan.msk.f32 $0xffff, v28  }
0x86: {  	vm0 =	vge.f32 v60, s10;
	v27 =	vmul.f32 v42, v9;
	v61 =	vmul.f32 v42, v13;
	(xrf1) =	vsort.ascd.msk.f32 $0xffff, v12, v12;
	v16 =	vpop (erf);
	s14 =	sadd.f32 s14, s16  }
0x87: {  	v54, _, _ =	vpop (xrf2);
	v43 =	vnsel vm0, $0x7F61B1E6, v22;
	v22 =	vmul.f32 v42, v5;
	v44 =	vadd.f32 v16, v44;
	(xrf1) =	vsort.ascd.msk.f32 $0xffff, v16, v16;
	s28 =	spop (v2sf)  }
0x88: {  	v62, _, _ =	vpop (xrf2);
	v42 =	vmul.f32 v42, v14;
	v53 =	vmin.f32 v53, v43;
	(xrf1) =	vsort.ascd.msk.f32 $0xffff, v15, v15;
	s16 =	sadd.f32 s14, s28  }
0x89: {  	v27 =	vadd.f32 v27, v40;
	v38 =	vadd.f32 v61, v39;
	v61 =	vmul.f32 v36, v11;
	v63, _, _ =	vpop (xrf1);
	(xrf2) =	vadd.scan.msk.f32 $0xffff, v44  }
0x8a: {  	(xrf1) =	vsort.ascd.msk.f32 $0xffff, v18, v18;
	v56, _, _ =	vpop (xrf1);
	v60 =	vadd.f32 s14, v50;
	v39 =	vperm.xlane v63, v0;
	v40 =	vadd.f32 s16, v62  }
0x8b: {  	v41 =	vadd.f32 v22, v41;
	v36 =	vmul.f32 v36, v8;
	v22 =	vadd.f32 v49, v27;
	s13 =	sadd.f32 s13, s15;
	v62, _, _ =	vpop (xrf1)  }
0x8c: {  	(xrf1) =	vsort.ascd.msk.f32 $0xffff, v34, v34;
	vm0 =	vge.f32 v60, s11;
	v46 =	vmin.f32 v62, v39;
	vm1 =	vge.f32 v40, s11;
	v44, _, _ =	vpop (xrf1)  }
0x8d: {  	v24 =	vadd.f32 s13, v24;
	s29 =	sadd.f32 s13, s12;
	v25 =	vnsel vm0, $0x7F61B1E6, v25;
	v37 =	vnsel vm1, $0x7F61B1E6, v37;
	v34, _, _ =	vpop (xrf2)  }
0x8e: {  	v59 =	vperm.xlane v56, v0;
	v27, _, _ =	vpop (xrf1);
	v25 =	vmin.f32 v25, v37;
	(v2sf) =	vpush v34, $0xF  }
0x8f: {  	s30 =	simm.s32 $0x180;
	v54 =	vadd.f32 s29, v54;
	(xrf1) =	vsort.ascd.msk.f32 $0xffff, v46, v46;
	v63 =	vmin.f32 v51, v25;
	v25 =	vadd.f32 v48, v38;
	v46, _, _ =	vpop (xrf2)  }
0x90: {  	vm0 =	vge.f32 v24, s10;
	v57, _, _ =	vpop (xrf1);
	v48 =	vadd.f32 v42, v47;
	v47 =	vld [tilespmem:s30+$0x10];
	(xrf0) =	vmin.scan.msk.f32 $0xffff, v63;
	(v2sf) =	vpush v46, $0xF  }
0x91: {  	v58 =	vmax.f32 v62, v39;
	v51 =	vnsel vm0, $0x7F61B1E6, v23;
	vm0 =	vge.f32 v54, s10;
	v45, _, _ =	vpop (xrf1)  }
0x92: {  	v43 =	vmin.f32 v57, v59;
	v39 =	vmax.f32 v57, v59;
	v57 =	vld [tilespmem:s30+$0x20];
	v35 =	vnsel vm0, $0x7F61B1E6, v35;
	(xrf2) =	vadd.scan.msk.f32 $0xffff, v45  }
0x93: {  	v24 =	vadd.f32 v61, v41;
	v41 =	vld [tilespmem:s30+$0x30];
	(xrf1) =	vsort.ascd.msk.f32 $0xffff, v58, v58;
	v35 =	vmin.f32 v51, v35;
	v60, _, _ =	vpop (xrf2)  }
0x94: {  	v54, _, _ =	vpop (xrf1);
	(xrf1) =	vsort.ascd.msk.f32 $0xffff, v39, v39;
	v35 =	vmin.f32 v53, v35;
	v61 =	vbroadcast v60, $0xF;
	(v2sf) =	vpush v60, $0xF;
	v60 =	vld [tilespmem:s30+$0x0]  }
0x95: {  	v59 =	vperm.xlane v54, v0;
	(xrf0) =	vmin.scan.msk.f32 $0xffff, v35;
	v62, _, _ =	vpop (xrf1);
	v37 =	vmul.f32 $1.442695020e+00, v47  }
0x96: {  	(xrf1) =	vsort.ascd.msk.f32 $0xffff, v43, v43;
	v42 =	vperm.xlane v62, v0;
	(erf) = vrcp.f32 v61;
	v58, _, _ =	vpop (xrf0)  }
0x97: {  	v23 =	vadd.f32 v36, v48;
	(xrf1) =	vsort.ascd.msk.f32 $0xffff, v52, v52;
	v39 =	vmul.f32 $1.442695020e+00, v57;
	v63, _, _ =	vpop (xrf1);
	v36 =	vbroadcast v58, $0xF  }
0x98: {  	(xrf2) =	vadd.scan.msk.f32 $0xffff, v44;
	v61 =	vmin.f32 v63, v42;
	v62 =	vmax.f32 v63, v42;
	v63, _, _ =	vpop (xrf1);
	v42 =	vmul.f32 $1.442695020e+00, v41  }
0x99: {  	v50 =	vmin.f32 v63, v59;
	v43 =	vmax.f32 v63, v59;
	(xrf1) =	vsort.ascd.msk.f32 $0xffff, v62, v62;
	v40 =	vmul.f32 $1.442695020e+00, v60  }
0x9a: {  	v41 =	vld [tilespmem:s30+$0x60];
	v35, _, _ =	vpop (xrf1);
	vm0 =	vge.f32 v32, v36;
	vm1 =	vge.f32 v33, v36;
	vm2 =	vge.f32 v30, v36  }
0x9b: {  	v51 =	vld [tilespmem:s30+$0x50];
	v33 =	vimm.f32 $0.0e+00;
	v47 =	vsel vm1, $0x3F800000, v1;
	vm1 =	vge.f32 v31, v36;
	v31, _, _ =	vpop (xrf0)  }
0x9c: {  	s31 =	spop (v2sf);
	(xrf2) =	vadd.scan.msk.f32 $0xffff, v55;
	v53 =	vld [tilespmem:s30+$0x40];
	v30 =	vimm.f32 $0.0e+00;
	v32 =	vimm.f32 $0.0e+00;
	v59, _, _ =	vpop (xrf2);
	v48 =	vsel vm2, $0x3F800000, v1  }
0x9d: {  	s12 =	simm.s32 $0x800;
	v38 =	vld [tilespmem:s30+$0x70];
	s10 =	smul.f32 $2.000000030e-01, s31;
	v52, _, _ =	vpop (xrf1);
	(xrf1) =	vsort.ascd.msk.f32 $0xffff, v61, v61;
	v49 =	vsel vm1, $0x3F800000, v1;
	v58 =	vbroadcast v31, $0xF;
	v31 =	vimm.f32 $0.0e+00;
	s11 =	spop (v2sf)  }
.LBB2_2:
0x9e: {  	p0 =	sne.s32 s12, $0xFE00;
	(erf) = vpow2.f32 v37;
	v54 =	vsel vm0, $0x3F800000, v1;
	v36 =	vmovc v3;
	v3 =	vmovc v18;
	v37 =	vmov v21;
	s13 =	smov.u32 s12;
	s12 =	sadd.s32 $0x200, s12  }
0x9f: {  	v18 =	vmul.f32 $1.442695020e+00, v41;
	v41 =	vpop (erf);
	(xrf2) =	vadd.scan.msk.f32 $0xffff, v29;
	s14 =	spop (v2sf);
	vm0 =	vge.f32 v19, v58;
	vm1 =	vge.f32 v10, v58  }
0xa0: {  	vm2 =	vge.f32 v20, v58;
	vm3 =	vge.f32 v17, v58;
	v51 =	vmul.f32 $1.442695020e+00, v51;
	(xrf1) =	vsort.ascd.msk.f32 $0xffff, v50, v50  }
0xa1: {  	v19 =	vsel vm2, $0x3F800000, v1;
	v20 =	vsel vm3, $0x3F800000, v1;
	v10 =	vmul.f32 $1.442695020e+00, v53;
	v17, _, _ =	vpop (xrf1);
	(xrf1) =	vsort.ascd.msk.f32 $0xffff, v43, v43  }
0xa2: {  	v50 =	vsel vm0, $0x3F800000, v1;
	v33 =	vadd.f32 v19, v33;
	v43, _, _ =	vpop (xrf2);
	(v2sf) =	vpush v59, $0xF;
	(xrf2) =	vadd.scan.msk.f32 $0xffff, v27  }
0xa3: {  	v19 =	vmul.f32 v41, v15;
	v20 =	vadd.f32 v20, v30;
	v17 =	vperm.xlane v17, v0;
	v53, _, _ =	vpop (xrf1);
	s16 =	spop (v2sf)  }
0xa4: {  	v55 =	vsel vm1, $0x3F800000, v1;
	(erf) = vpow2.f32 v42;
	v42 =	vperm.xlane v52, v0;
	v52, _, _ =	vpop (xrf1)  }
0xa5: {  	v32 =	vadd.f32 v50, v32;
	v30 =	vadd.f32 v49, v20;
	v56 =	vmin.f32 v52, v17;
	v21, _, _ =	vpop (xrf1)  }
0xa6: {  	v31 =	vadd.f32 v55, v31;
	v20 =	vmin.f32 v53, v42;
	v42 =	vmax.f32 v53, v42;
	v49, _, _ =	vpop (xrf2);
	(xrf2) =	vadd.scan.msk.f32 $0xffff, v35  }
0xa7: {  	v17 =	vmax.f32 v52, v17;
	v50 =	vpop (erf);
	v52 =	vmin.f32 v56, v20;
	v20 =	vmax.f32 v56, v20  }
0xa8: {  	v32 =	vadd.f32 v48, v32;
	(erf) = vpow2.f32 v40;
	v40 =	vmin.f32 v17, v42;
	v53, _, _ =	vpop (xrf1)  }
0xa9: {  	s15 =	smul.f32 $2.000000030e-01, s9;
	v31 =	vadd.f32 v54, v31;
	v33 =	vadd.f32 v47, v33;
	s9 =	smov.u32 s16;
	(erf) = vpow2.f32 v39;
	(xrf1) =	vsort.ascd.msk.f32 $0xffff, v40, v40;
	v39, _, _ =	vpop (xrf2)  }
0xaa: {  	(erf) = vpow2.f32 v10;
	(xrf1) =	vsort.ascd.msk.f32 $0xffff, v52, v52;
	v40 =	vbroadcast v39, $0xF;
	(v2sf) =	vpush v39, $0xF;
	v10 =	vmovc v14  }
0xab: {  	v48 =	vbroadcast v43, $0xF;
	vm0 =	vge.f32 v43, s15;
	v52 =	vbroadcast v49, $0xF;
	v47, _, _ =	vpop (xrf1)  }
0xac: {  	(erf) = vpow2.f32 v51;
	(xrf1) =	vsort.ascd.msk.f32 $0xffff, v20, v20;
	v20 =	vnsel vm0, $0x7F61B1E6, v44;
	(v2sf) =	vpush v43, $0xF;
	v43, _, _ =	vpop (xrf2)  }
0xad: {  	v47 =	vperm.xlane v47, v0;
	v44 =	vpop (erf);
	(erf) = vrcp.f32 v52;
	(v2sf) =	vpush v43, $0xF  }
0xae: {  	vm0 =	vge.f32 v39, s10;
	v39 =	vadd.f32 v48, v59;
	(xrf1) =	vsort.ascd.msk.f32 $0xffff, v44, v44;
	(v2sf) =	vpush v49, $0xF;
	v14, _, _ =	vpop (xrf1)  }
0xaf: {  	v38 =	vmul.f32 $1.442695020e+00, v38;
	v40 =	vadd.f32 v40, v46;
	v46 =	vnsel vm0, $0x7F61B1E6, v29;
	v48, _, _ =	vpop (xrf1)  }
0xb0: {  	v49 =	vmul.f32 v41, v3;
	vm0 =	vge.f32 v39, s15;
	(erf) = vpow2.f32 v18;
	v51, _, _ =	vpop (xrf2)  }
0xb1: {  	v29 =	vperm.xlane v53, v0;
	v45 =	vnsel vm0, $0x7F61B1E6, v45;
	v53 =	vmax.f32 v48, v47;
	v52 =	vpop (erf);
	(xrf1) =	vsort.ascd.msk.f32 $0xffff, v50, v50;
	s16 =	spop (v2sf)  }
0xb2: {  	v55 =	vadd.f32 v50, v52;
	v54 =	vpop (erf);
	(erf) = vpow2.f32 v38;
	v38 =	vmin.f32 v48, v47  }
0xb3: {  	vm0 =	vge.f32 v40, s10;
	v47 =	vmin.f32 v14, v29;
	v14 =	vmax.f32 v14, v29;
	(xrf1) =	vsort.ascd.msk.f32 $0xffff, v54, v54;
	v18 =	vpop (erf)  }
0xb4: {  	v40 =	vmin.f32 v47, v38;
	v47 =	vmax.f32 v47, v38;
	v29 =	vadd.f32 v54, v55;
	(xrf2) =	vadd.scan.msk.f32 $0xffff, v21  }
0xb5: {  	v45 =	vmin.f32 v20, v45;
	v48 =	vmin.f32 v14, v53;
	v55 =	vnsel vm0, $0x7F61B1E6, v28;
	v39 =	vpop (erf);
	(xrf1) =	vsort.ascd.msk.f32 $0xffff, v40, v40  }
0xb6: {  	v38 =	vmax.f32 v14, v53;
	v14 =	vmov v2;
	v40 =	vadd.f32 v44, v29;
	v20 =	vpop (erf);
	(xrf1) =	vsort.ascd.msk.f32 $0xffff, v48, v48  }
0xb7: {  	v2 =	vmov v50;
	(xrf1) =	vsort.ascd.msk.f32 $0xffff, v52, v52;
	v58 =	vmul.f32 v20, v6;
	v48 =	vmul.f32 v20, v7;
	v53, _, _ =	vpop (xrf1)  }
0xb8: {  	v42 =	vmax.f32 v17, v42;
	v59 =	vadd.f32 v39, v18;
	v56 =	vmul.f32 v20, v14;
	v29, _, _ =	vpop (xrf1);
	(xrf2) =	vadd.scan.msk.f32 $0xffff, v53  }
0xb9: {  	v17 =	vmov v5;
	v20 =	vmul.f32 v20, v4;
	v57 =	vpop (erf);
	v22 =	vadd.f32 v58, v22;
	(xrf1) =	vsort.ascd.msk.f32 $0xffff, v47, v47;
	s17 =	spop (v2sf)  }
0xba: {  	v25 =	vadd.f32 v48, v25;
	v48 =	vmul.f32 v41, v16;
	v47 =	vadd.f32 v57, v59;
	v28, _, _ =	vpop (xrf1);
	s14 =	sadd.f32 s14, s17  }
0xbb: {  	v5 =	vmov v4;
	v20 =	vadd.f32 v20, v24;
	v50 =	vpop (erf);
	(xrf1) =	vsort.ascd.msk.f32 $0xffff, v39, v39;
	v22 =	vadd.f32 v49, v22;
	s17 =	spop (v2sf)  }
0xbc: {  	v41 =	vmul.f32 v41, v12;
	v47 =	vadd.f32 v50, v47;
	v49, _, _ =	vpop (xrf1);
	(xrf2) =	vadd.scan.msk.f32 $0xffff, v28;
	v58 =	vadd.f32 s14, v34;
	s16 =	sadd.f32 s16, s17;
	s17 =	spop (v2sf)  }
0xbd: {  	v4 =	vmovc v44;
	v25 =	vadd.f32 v19, v25;
	v24 =	vadd.f32 v48, v20;
	s11 =	sadd.f32 s14, s11;
	(xrf1) =	vsort.ascd.msk.f32 $0xffff, v50, v50;
	s18 =	spop (v2sf)  }
0xbe: {  	v56 =	vadd.f32 v56, v23;
	(xrf1) =	vsort.ascd.msk.f32 $0xffff, v57, v57;
	s14 =	smul.f32 $2.000000030e-01, s18;
	vm0 =	vge.f32 v58, s10;
	v43 =	vadd.f32 s16, v43;
	s16 =	sadd.f32 s16, s17;
	v34, _, _ =	vpop (xrf2)  }
0xbf: {  	v19 =	vmov v9;
	v44 =	vadd.f32 s11, v51;
	v48, _, _ =	vpop (xrf1);
	v26 =	vnsel vm0, $0x7F61B1E6, v26  }
0xc0: {  	v23 =	vadd.f32 v41, v56;
	v9 =	vmovc v6;
	v49 =	vperm.xlane v49, v0;
	(xrf2) =	vadd.scan.msk.f32 $0xffff, v47;
	v41 =	vadd.f32 s16, v34  }
0xc1: {  	v6 =	vmov v52;
	v20 =	vmov v13;
	vm0 =	vge.f32 v44, s10;
	s10 =	smov.u32 s14;
	v47, _, _ =	vpop (xrf1);
	(xrf1) =	vsort.ascd.msk.f32 $0xffff, v18, v18  }
0xc2: {  	v13 =	vnsel vm0, $0x7F61B1E6, v35;
	vm0 =	vge.f32 v43, s15;
	(xrf1) =	vsort.ascd.msk.f32 $0xffff, v42, v42;
	v34, _, _ =	vpop (xrf2);
	vm1 =	vge.f32 v41, s15  }
0xc3: {  	v35 =	vnsel vm0, $0x7F61B1E6, v27;
	(v2sf) =	vpush v34, $0xF;
	v44, _, _ =	vpop (xrf1);
	v21 =	vnsel vm1, $0x7F61B1E6, v21  }
0xc4: {  	v41 =	vmin.f32 v46, v55;
	v43 =	vmin.f32 v26, v13;
	v27, _, _ =	vpop (xrf1);
	v21 =	vmin.f32 v35, v21  }
0xc5: {  	v51 =	vmin.f32 v47, v49;
	v41 =	vmin.f32 v41, v43;
	v35 =	vmax.f32 v47, v49;
	v42, _, _ =	vpop (xrf1)  }
0xc6: {  	v13 =	vmov v7;
	v7 =	vmov v54;
	v47 =	vmin.f32 v45, v21;
	(xrf1) =	vsort.ascd.msk.f32 $0xffff, v51, v51;
	v46, _, _ =	vpop (xrf2)  }
0xc7: {  	v26 =	vmov v53;
	v43 =	vperm.xlane v48, v0;
	(v2sf) =	vpush v46, $0xF;
	v45, _, _ =	vpop (xrf1);
	(xrf0) =	vmin.scan.msk.f32 $0xffff, v47  }
0xc8: {  	v48 =	vmovc v11;
	v11 =	vmovc v16;
	v16 =	vmov v50;
	v21 =	vmov v15;
	v15 =	vmov v57  }
0xc9: {  	v47, _, _ =	vpop (xrf1);
	(xrf2) =	vadd.scan.msk.f32 $0xffff, v45  }
0xca: {  	v49 =	vmin.f32 v42, v43;
	v50 =	vmax.f32 v42, v43;
	(xrf1) =	vsort.ascd.msk.f32 $0xffff, v35, v35;
	v35, _, _ =	vpop (xrf2)  }
0xcb: {  	s13 =	sshra.s32 s13, $0x2;
	v52 =	vbroadcast v35, $0xF;
	(v2sf) =	vpush v35, $0xF;
	v35, _, _ =	vpop (xrf1);
	(xrf0) =	vmin.scan.msk.f32 $0xffff, v41  }
0xcc: {  	v41 =	vld [tilespmem:s13+$0x30];
	(xrf1) =	vsort.ascd.msk.f32 $0xffff, v50, v50;
	v42, _, _ =	vpop (xrf1)  }
0xcd: {  	v50 =	vperm.xlane v35, v0;
	v51 =	vld [tilespmem:s13+$0x10];
	(xrf1) =	vsort.ascd.msk.f32 $0xffff, v49, v49;
	(erf) = vrcp.f32 v52;
	v43, _, _ =	vpop (xrf0)  }
0xce: {  	v47 =	vperm.xlane v47, v0;
	v49 =	vld [tilespmem:s13+$0x20];
	(xrf1) =	vsort.ascd.msk.f32 $0xffff, v38, v38;
	v52 =	vbroadcast v43, $0xF  }
0xcf: {  	v55 =	vmin.f32 v42, v50;
	v53 =	vmax.f32 v42, v50;
	v54 =	vld [tilespmem:s13+$0x0];
	v35, _, _ =	vpop (xrf1);
	(xrf2) =	vadd.scan.msk.f32 $0xffff, v44  }
.Ltmp0:
0xd0: {  	v38 =	vld [tilespmem:s13+$0x70];
	v50 =	vmin.f32 v35, v47;
	v43 =	vmax.f32 v35, v47;
	v35, _, _ =	vpop (xrf1);
	(pc) =	sbr.rel @p0 .LBB2_2-.Ltmp0, $4  }
0xd1: {  	vm0 =	vge.f32 v8, v52;
	vm1 =	vge.f32 v37, v52;
	v42 =	vmul.f32 $1.442695020e+00, v41;
	v41 =	vld [tilespmem:s13+$0x60];
	(xrf1) =	vsort.ascd.msk.f32 $0xffff, v53, v53;
	v56, _, _ =	vpop (xrf0)  }
0xd2: {  	v8 =	vmovc v12;
	v12 =	vmovc v39;
	v47 =	vsel vm1, $0x3F800000, v1;
	vm1 =	vge.f32 v48, v52;
	v37 =	vmul.f32 $1.442695020e+00, v51;
	v51 =	vld [tilespmem:s13+$0x50];
	s11 =	spop (v2sf)  }
0xd3: {  	vm2 =	vge.f32 v36, v52;
	v39 =	vmul.f32 $1.442695020e+00, v49;
	v53 =	vld [tilespmem:s13+$0x40];
	(xrf2) =	vadd.scan.msk.f32 $0xffff, v40;
	v59, _, _ =	vpop (xrf2);
	v49 =	vsel vm1, $0x3F800000, v1  }
0xd4: {  	v48 =	vsel vm2, $0x3F800000, v1;
	v58 =	vbroadcast v56, $0xF;
	v40 =	vmul.f32 $1.442695020e+00, v54;
	v52, _, _ =	vpop (xrf1);
	(xrf1) =	vsort.ascd.msk.f32 $0xffff, v55, v55  }
0xd5: {  	(erf) = vpow2.f32 v37  }
0xd6: {  	(xrf1) =	vsort.ascd.msk.f32 $0xffff, v50, v50;
	_ =	sdelay $0x1  }
0xd7: {  	(xrf1) =	vsort.ascd.msk.f32 $0xffff, v43, v43;
	v56 =	vpop (erf);
	(erf) = vpow2.f32 v42  }
0xd8: {  	v36, _, _ =	vpop (xrf1)  }
0xd9: {  	v42 =	vperm.xlane v52, v0;
	(erf) = vpow2.f32 v40;
	v63, _, _ =	vpop (xrf2)  }
0xda: {  	v40 =	vmul.f32 $1.442695020e+00, v41;
	v41 =	vperm.xlane v36, v0;
	v37, _, _ =	vpop (xrf1)  }
0xdb: {  	v50 =	vmul.f32 $1.442695020e+00, v53;
	(erf) = vpow2.f32 v39;
	v43, _, _ =	vpop (xrf1)  }
0xdc: {  	v54 =	vmax.f32 v37, v42;
	v62, _, _ =	vpop (xrf1);
	v55 =	vmax.f32 v43, v41  }
0xdd: {  	v36 =	vpop (erf);
	(erf) = vpow2.f32 v50;
	v50 =	vmin.f32 v55, v54  }
0xde: {  	v60, _, _ =	vpop (xrf2)  }
0xdf: {  	v57 =	vmul.f32 $1.442695020e+00, v51;
	v51 =	vmin.f32 v43, v41;
	v43, _, _ =	vpop (xrf1)  }
0xe0: {  	v37 =	vmin.f32 v37, v42;
	v61 =	vbroadcast v60, $0xF;
	(xrf1) =	vsort.ascd.msk.f32 $0xffff, v50, v50;
	v50 =	vpop (erf)  }
0xe1: {  	(xrf2) =	vadd.scan.msk.f32 $0xffff, v29;
	v52 =	vmin.f32 v51, v37;
	(erf) = vpow2.f32 v57;
	v53, _, _ =	vpop (xrf1)  }
0xe2: {  	[tilespmem:$0x1FF90] =	vst v60;
	(erf) = vrcp.f32 v61;
	v61 =	vmax.f32 v51, v37;
	(xrf1) =	vsort.ascd.msk.f32 $0xffff, v52, v52;
	v60 =	vpop (erf)  }
0xe3: {  	v57 =	vmul.f32 $1.442695020e+00, v38;
	v42 =	vperm.xlane v43, v0;
	(xrf1) =	vsort.ascd.msk.f32 $0xffff, v61, v61;
	v41, _, _ =	vpop (xrf1)  }
0xe4: {  	(erf) = vpow2.f32 v40;
	(xrf1) =	vsort.ascd.msk.f32 $0xffff, v50, v50;
	v51 =	vperm.xlane v53, v0;
	v53 =	vpop (erf)  }
0xe5: {  	(erf) = vpow2.f32 v57;
	(xrf1) =	vsort.ascd.msk.f32 $0xffff, v36, v36;
	v52, _, _ =	vpop (xrf1)  }
0xe6: {  	v61 =	vmin.f32 v41, v42;
	(xrf1) =	vsort.ascd.msk.f32 $0xffff, v53, v53;
	v40 =	vmin.f32 v52, v51  }
0xe7: {  	v39 =	vmax.f32 v41, v42;
	v57 =	vmax.f32 v52, v51;
	v37 =	vmin.f32 v61, v40  }
0xe8: {  	v38 =	vmin.f32 v39, v57;
	(xrf1) =	vsort.ascd.msk.f32 $0xffff, v37, v37  }
0xe9: {  	(xrf1) =	vsort.ascd.msk.f32 $0xffff, v38, v38  }
0xea: {  	v42 =	vpop (erf);
	(xrf1) =	vsort.ascd.msk.f32 $0xffff, v60, v60  }
0xeb: {  	v41 =	vpop (erf)  }
0xec: {  	v40 =	vmax.f32 v61, v40;
	v61 =	vpop (erf)  }
0xed: {  	v38 =	vpop (erf);
	(xrf1) =	vsort.ascd.msk.f32 $0xffff, v40, v40  }
0xee: {  	v52 =	vpop (erf);
	(xrf1) =	vsort.ascd.msk.f32 $0xffff, v41, v41  }
0xef: {  	[tilespmem:$0x1FF70] =	vst v50;
	(xrf1) =	vsort.ascd.msk.f32 $0xffff, v52, v52;
	v50, _, _ =	vpop (xrf1)  }
0xf0: {  	v40 =	vmov v38;
	[tilespmem:$0x1FFA0] =	vst v38;
	(xrf1) =	vsort.ascd.msk.f32 $0xffff, v38, v38;
	v38, _, _ =	vpop (xrf2)  }
0xf1: {  	v43, _, _ =	vpop (xrf1)  }
0xf2: {  	[tilespmem:$0x1FF80] =	vst v43;
	v43, _, _ =	vpop (xrf1)  }
0xf3: {  	v51, _, _ =	vpop (xrf1)  }
0xf4: {  	(xrf2) =	vadd.scan.msk.f32 $0xffff, v27;
	v37, _, _ =	vpop (xrf1);
	v51 =	vperm.xlane v51, v0  }
0xf5: {  	[tilespmem:$0x1FF50] =	vst v36;
	(xrf1) =	vsort.ascd.msk.f32 $0xffff, v42, v42;
	v36, _, _ =	vpop (xrf1)  }
0xf6: {  	v55 =	vmax.f32 v55, v54;
	[tilespmem:$0x1FF60] =	vst v53;
	v53, _, _ =	vpop (xrf1)  }
0xf7: {  	(v2sf) =	vpush v59, $0xF;
	(xrf1) =	vsort.ascd.msk.f32 $0xffff, v55, v55;
	v37 =	vperm.xlane v37, v0;
	v55 =	vmin.f32 v36, v51;
	v54, _, _ =	vpop (xrf1)  }
0xf8: {  	(v2sf) =	vpush v38, $0xF;
	v36 =	vmax.f32 v36, v51;
	(xrf1) =	vsort.ascd.msk.f32 $0xffff, v55, v55;
	v51, _, _ =	vpop (xrf1)  }
0xf9: {  	(v2sf) =	vpush v63, $0xF;
	(xrf1) =	vsort.ascd.msk.f32 $0xffff, v36, v36;
	v36 =	vmax.f32 v51, v37;
	_ =	sdelay $0x1  }
0xfa: {  	v55, _, _ =	vpop (xrf1)  }
0xfb: {  	(xrf1) =	vsort.ascd.msk.f32 $0xffff, v36, v36;
	v36, _, _ =	vpop (xrf1)  }
0xfc: {  	(xrf2) =	vadd.scan.msk.f32 $0xffff, v35;
	v37 =	vmin.f32 v51, v37;
	v51, _, _ =	vpop (xrf1)  }
0xfd: {  	(xrf1) =	vsort.ascd.msk.f32 $0xffff, v37, v37;
	v37 =	vperm.xlane v51, v0;
	v51, _, _ =	vpop (xrf2)  }
0xfe: {  	(xrf2) =	vadd.scan.msk.f32 $0xffff, v62;
	v39 =	vmax.f32 v39, v57;
	v57, _, _ =	vpop (xrf1);
	(v2sf) =	vpush v51, $0xF  }
0xff: {  	(xrf1) =	vsort.ascd.msk.f32 $0xffff, v39, v39;
	v39 =	vmax.f32 v57, v37;
	_ =	sdelay $0x1  }
0x100: {  	v36 =	vperm.xlane v36, v0  }
0x101: {  	v37 =	vmin.f32 v57, v37;
	(xrf1) =	vsort.ascd.msk.f32 $0xffff, v39, v39;
	v39, _, _ =	vpop (xrf1)  }
0x102: {  	s13 =	spop (v2sf);
	(xrf1) =	vsort.ascd.msk.f32 $0xffff, v37, v37;
	v57 =	vmin.f32 v39, v36  }
0x103: {  	s12 =	spop (v2sf);
	v36 =	vmax.f32 v39, v36;
	(xrf1) =	vsort.ascd.msk.f32 $0xffff, v57, v57  }
0x104: {  	s14 =	spop (v2sf);
	(xrf1) =	vsort.ascd.msk.f32 $0xffff, v36, v36;
	v36 =	vbroadcast v63, $0xF  }
0x105: {  	s9 =	smul.f32 $2.000000030e-01, s9;
	s15 =	spop (v2sf)  }
0x106: {  	s13 =	sadd.f32 s13, s15;
	s30 =	spop (v2sf);
	v37 =	vbroadcast v38, $0xF;
	v36 =	vadd.f32 v36, v59  }
0x107: {  	vm1 =	vge.f32 v63, s9;
	s14 =	sadd.f32 s14, s30;
	v39, _, _ =	vpop (xrf2)  }
0x108: {  	vm2 =	vge.f32 v38, s10;
	v34 =	vadd.f32 s13, v34;
	v37 =	vadd.f32 v37, v46;
	v38, _, _ =	vpop (xrf2)  }
0x109: {  	v44 =	vnsel vm1, $0x7F61B1E6, v44;
	[tilespmem:$0x1FFB0] =	vst v42;
	v42 =	vadd.f32 v41, v42;
	v63 =	vadd.f32 s14, v51;
	v57, _, _ =	vpop (xrf1)  }
0x10a: {  	vm11 =	vge.f32 v34, s10;
	vm3 =	vge.f32 v37, s10;
	vm10 =	vge.f32 v36, s9;
	v36, _, _ =	vpop (xrf1)  }
0x10b: {  	v59 =	vnsel vm2, $0x7F61B1E6, v29;
	v45 =	vnsel vm10, $0x7F61B1E6, v45;
	v46, _, _ =	vpop (xrf1);
	v36 =	vperm.xlane v36, v0  }
0x10c: {  	[tilespmem:$0x1FFF0] =	vst v41;
	v28 =	vnsel vm3, $0x7F61B1E6, v28;
	v44 =	vmin.f32 v44, v45;
	v45 =	vadd.f32 v40, v42;
	v34, _, _ =	vpop (xrf1);
	s31 =	spop (v2sf)  }
0x10d: {  	(xrf2) =	vadd.scan.msk.f32 $0xffff, v50;
	vm12 =	vge.f32 v63, s9;
	v29 =	vmin.f32 v59, v28;
	v46 =	vperm.xlane v46, v0;
	v63, _, _ =	vpop (xrf1);
	s14 =	sadd.f32 s14, s31  }
0x10e: {  	[tilespmem:$0x1FFC0] =	vst v43;
	v45 =	vadd.f32 v52, v45;
	v51 =	vmin.f32 v34, v36;
	v34 =	vmax.f32 v34, v36;
	v42, _, _ =	vpop (xrf1)  }
0x10f: {  	(xrf2) =	vadd.scan.msk.f32 $0xffff, v43;
	v40 =	vmin.f32 v63, v46;
	v37 =	vmax.f32 v63, v46;
	v36, _, _ =	vpop (xrf1);
	v38 =	vadd.f32 s14, v38  }
0x110: {  	(xrf2) =	vadd.scan.msk.f32 $0xffff, v45;
	v43 =	vmin.f32 v40, v51;
	v45 =	vmax.f32 v40, v51;
	v40 =	vmin.f32 v37, v34;
	v41, _, _ =	vpop (xrf1)  }
0x111: {  	v36 =	vperm.xlane v36, v0;
	(xrf1) =	vsort.ascd.msk.f32 $0xffff, v40, v40;
	v46 =	vperm.xlane v41, v0;
	v28, _, _ =	vpop (xrf1)  }
0x112: {  	vm13 =	vge.f32 v38, s9;
	(xrf1) =	vsort.ascd.msk.f32 $0xffff, v43, v43;
	v41, _, _ =	vpop (xrf1)  }
0x113: {  	v43 =	vmin.f32 v28, v36;
	v38 =	vmax.f32 v41, v46;
	v46 =	vmin.f32 v41, v46  }
0x114: {  	v28 =	vmax.f32 v28, v36;
	(xrf1) =	vsort.ascd.msk.f32 $0xffff, v45, v45;
	v59 =	vnsel vm13, $0x7F61B1E6, v62;
	v62 =	vmin.f32 v43, v46  }
0x115: {  	v51 =	vld [tilespmem:$0x1FF50];
	v63 =	vmin.f32 v28, v38;
	(xrf1) =	vsort.ascd.msk.f32 $0xffff, v62, v62  }
0x116: {  	v43 =	vmax.f32 v43, v46;
	(xrf1) =	vsort.ascd.msk.f32 $0xffff, v63, v63  }
0x117: {  	s11 =	sadd.f32 s13, s11;
	(xrf1) =	vsort.ascd.msk.f32 $0xffff, v43, v43;
	v43 =	vld [tilespmem:$0x1FF60]  }
0x118: {  	[tilespmem:$0x1FFE0] =	vst v52;
	v52 =	vnsel vm12, $0x7F61B1E6, v27  }
0x119: {  	[tilespmem:$0x1FFD0] =	vst v50;
	v50 =	vadd.f32 s11, v39;
	v27 =	vmin.f32 v52, v59;
	v59 =	vld [tilespmem:$0x1FF70]  }
0x11a: {  	v46 =	vadd.f32 v51, v60  }
0x11b: {  	vm14 =	vge.f32 v50, s10;
	v27 =	vmin.f32 v44, v27  }
0x11c: {  	v26 =	vnsel vm11, $0x7F61B1E6, v26;
	(xrf2) =	vadd.scan.msk.f32 $0xffff, v55;
	v45 =	vnsel vm14, $0x7F61B1E6, v35;
	v50 =	vadd.f32 v43, v46  }
0x11d: {  	(xrf2) =	vadd.scan.msk.f32 $0xffff, v53;
	v26 =	vmin.f32 v26, v45  }
0x11e: {  	vm8 =	vge.f32 v10, v58;
	v26 =	vmin.f32 v29, v26;
	(xrf0) =	vmin.scan.msk.f32 $0xffff, v27;
	v27, _, _ =	vpop (xrf2);
	v52 =	vadd.f32 v59, v50  }
0x11f: {  	(xrf0) =	vmin.scan.msk.f32 $0xffff, v26;
	v26 =	vsel vm8, $0x3F800000, v1;
	v35, _, _ =	vpop (xrf2)  }
0x120: {  	vm15 =	vge.f32 v20, v58;
	v20 =	vadd.f32 v26, v31;
	v36, _, _ =	vpop (xrf2);
	(xrf2) =	vadd.scan.msk.f32 $0xffff, v52;
	v52 =	vld [tilespmem:$0x1FF80]  }
0x121: {  	vm7 =	vge.f32 v17, v58;
	v40 =	vsel vm0, $0x3F800000, v1  }
0x122: {  	vm6 =	vge.f32 v19, v58;
	v63 =	vsel vm7, $0x3F800000, v1;
	v44 =	vadd.f32 v40, v20;
	v40 =	vld [tilespmem:$0x1FF90]  }
0x123: {  	v19 =	vsel vm6, $0x3F800000, v1;
	v10 =	vadd.f32 v63, v30  }
0x124: {  	v58 =	vmul.f32 v56, v18;
	v19 =	vadd.f32 v19, v32;
	v39, _, _ =	vpop (xrf0)  }
0x125: {  	v62 =	vsel vm15, $0x3F800000, v1;
	v31 =	vadd.f32 v49, v10;
	v49 =	vmul.f32 v61, v6;
	v30, _, _ =	vpop (xrf0);
	(xrf2) =	vadd.scan.msk.f32 $0xffff, v52  }
0x126: {  	v41 =	vadd.f32 v62, v33;
	v33 =	vadd.f32 v48, v19;
	v62 =	vmul.f32 v61, v4;
	v17, _, _ =	vpop (xrf1)  }
0x127: {  	v34 =	vmax.f32 v37, v34;
	v10 =	vadd.f32 v49, v22;
	(v2sf) =	vpush v40, $0xF;
	v26, _, _ =	vpop (xrf1);
	(xrf2) =	vadd.scan.msk.f32 $0xffff, v54  }
0x128: {  	v32 =	vadd.f32 v47, v41;
	v41 =	vmul.f32 v56, v16;
	v46 =	vadd.f32 v62, v24;
	v19, _, _ =	vpop (xrf1);
	(xrf2) =	vadd.scan.msk.f32 $0xffff, v57  }
0x129: {  	v63 =	vmul.f32 v56, v15;
	v45 =	vadd.f32 v58, v10;
	v58 =	vmul.f32 v61, v2;
	v29, _, _ =	vpop (xrf1);
	(xrf2) =	vadd.scan.msk.f32 $0xffff, v42  }
0x12a: {  	v30 =	vbroadcast v30, $0xF;
	v50 =	vmul.f32 v61, v7;
	v10 =	vadd.f32 v41, v46;
	v22, _, _ =	vpop (xrf1);
	(xrf2) =	vadd.scan.msk.f32 $0xffff, v17  }
0x12b: {  	v61 =	vmul.f32 v56, v12;
	(v2sf) =	vpush v27, $0xF;
	v23 =	vadd.f32 v58, v23;
	v24, _, _ =	vpop (xrf1);
	(xrf2) =	vadd.scan.msk.f32 $0xffff, v19  }
0x12c: {  	v47, _, _ =	vpop (xrf2);
	vm9 =	vge.f32 v9, v30;
	vm11 =	vge.f32 v13, v30;
	(v2sf) =	vpush v35, $0xF;
	(xrf2) =	vadd.scan.msk.f32 $0xffff, v24  }
0x12d: {  	v20 =	vadd.f32 v50, v25;
	v25, _, _ =	vpop (xrf2);
	(v2sf) =	vpush v36, $0xF;
	v36 =	vbroadcast v36, $0xF;
	(xrf2) =	vadd.scan.msk.f32 $0xffff, v29  }
0x12e: {  	vm10 =	vge.f32 v14, v30;
	vm12 =	vge.f32 v5, v30;
	v40 =	vsel vm11, $0x3F800000, v1;
	v62, _, _ =	vpop (xrf2);
	(xrf2) =	vadd.scan.msk.f32 $0xffff, v26  }
0x12f: {  	v50 =	vsel vm12, $0x3F800000, v1;
	v58 =	vsel vm9, $0x3F800000, v1;
	(v2sf) =	vpush v47, $0xF;
	v49, _, _ =	vpop (xrf2)  }
0x130: {  	v20 =	vadd.f32 v63, v20;
	v63 =	vmax.f32 v28, v38;
	(v2sf) =	vpush v49, $0xF  }
0x131: {  	v28 =	vbroadcast v39, $0xF;
	(erf) = vrcp.f32 v36;
	(xrf2) =	vadd.scan.msk.f32 $0xffff, v22;
	v36, _, _ =	vpop (xrf2);
	(v2sf) =	vpush v25, $0xF  }
0x132: {  	v23 =	vadd.f32 v61, v23;
	v14 =	vadd.f32 v40, v32;
	v61 =	vsel vm10, $0x3F800000, v1;
	v46, _, _ =	vpop (xrf2)  }
0x133: {  	(xrf1) =	vsort.ascd.msk.f32 $0xffff, v34, v34;
	vm13 =	vge.f32 v11, v28;
	v41 =	vbroadcast v62, $0xF;
	v37, _, _ =	vpop (xrf2);
	(v2sf) =	vpush v36, $0xF  }
0x134: {  	(xrf1) =	vsort.ascd.msk.f32 $0xffff, v63, v63;
	vm15 =	vge.f32 v3, v28;
	v3 =	vadd.f32 v50, v31;
	v13, _, _ =	vpop (xrf2);
	(v2sf) =	vpush v62, $0xF  }
0x135: {  	v33 =	vadd.f32 v58, v33;
	v48 =	vsel vm13, $0x3F800000, v1;
	(erf) = vrcp.f32 v41;
	v11, _, _ =	vpop (xrf2)  }
0x136: {  	vm5 =	vge.f32 v21, v28;
	v5 =	vadd.f32 v48, v3;
	s11 =	spop (v2sf);
	(v2sf) =	vpush v13, $0xF;
	v30, _, _ =	vpop (xrf2)  }
0x137: {  	v56 =	vsel vm15, $0x3F800000, v1;
	v3 =	vadd.f32 v61, v44;
	s9 =	smul.f32 $2.000000030e-01, s11;
	(v2sf) =	vpush v11, $0xF;
	v32, _, _ =	vpop (xrf2)  }
0x138: {  	v21 =	vsel vm5, $0x3F800000, v1;
	v9 =	vadd.f32 v56, v33;
	(v2sf) =	vpush v30, $0xF;
	v31, _, _ =	vpop (xrf2)  }
0x139: {  	s12 =	smul.f32 $2.000000030e-01, s12;
	v50 =	vld [tilespmem:$0x1FFA0];
	v41 =	vbroadcast v25, $0xF;
	vm7 =	vge.f32 v49, s9;
	(v2sf) =	vpush v31, $0xF  }
0x13a: {  	v63 =	vbroadcast v49, $0xF;
	v58 =	vnsel vm7, $0x7F61B1E6, v52;
	v52 =	vld [tilespmem:$0x1FFB0];
	(v2sf) =	vpush v32, $0xF  }
0x13b: {  	vm6 =	vge.f32 v25, s12;
	v14 =	vadd.f32 v21, v14;
	s13 =	spop (v2sf);
	v47 =	vadd.f32 v41, v47;
	v34, _, _ =	vpop (xrf2)  }
0x13c: {  	vm14 =	vge.f32 v8, v28;
	s17 =	spop (v2sf);
	v35 =	vadd.f32 v63, v35;
	v63 =	vld [tilespmem:$0x1FFC0];
	(v2sf) =	vpush v34, $0xF  }
0x13d: {  	v56 =	vnsel vm6, $0x7F61B1E6, v53;
	v33 =	vpop (erf);
	s18 =	spop (v2sf);
	vm8 =	vge.f32 v47, s12;
	v62 =	vsel vm14, $0x3F800000, v1  }
0x13e: {  	s19 =	spop (v2sf);
	v8 =	vadd.f32 v62, v3;
	v3 =	vmul.f32 v33, v50;
	vm9 =	vge.f32 v35, s9;
	v61 =	vpop (erf)  }
0x13f: {  	s28 =	smul.f32 $2.000000030e-01, s18;
	v62 =	vnsel vm8, $0x7F61B1E6, v55;
	v39 =	vmul.f32 v33, v52;
	v35 =	vmul.f32 v61, v43;
	s20 =	spop (v2sf)  }
0x140: {  	v21 =	vmin.f32 v56, v62;
	v40 =	vmul.f32 v61, v60;
	v55 =	vbroadcast v31, $0xF;
	s16 =	spop (v2sf);
	s11 =	sadd.f32 s17, s20  }
0x141: {  	v53 =	vld [tilespmem:$0x1FFD0];
	v28, _, _ =	vpop (xrf1);
	v44 =	vnsel vm9, $0x7F61B1E6, v63;
	v47 =	vmul.f32 v61, v51;
	v20 =	vadd.f32 v35, v20;
	s14 =	sadd.f32 s19, s16  }
0x142: {  	v48, _, _ =	vpop (xrf1);
	(xrf2) =	vadd.scan.msk.f32 $0xffff, v28;
	vm14 =	vge.f32 v32, s28;
	v45 =	vadd.f32 v40, v45;
	v11 =	vadd.f32 v55, v11;
	s21 =	spop (v2sf);
	s10 =	sadd.f32 s11, s13  }
0x143: {  	(xrf2) =	vadd.scan.msk.f32 $0xffff, v48;
	v25 =	vmin.f32 v58, v44;
	v3 =	vadd.f32 v3, v20;
	v27 =	vadd.f32 s11, v27;
	s23 =	spop (v2sf);
	s22 =	sadd.f32 s14, s21  }
0x144: {  	v56 =	vnsel vm14, $0x7F61B1E6, v29;
	v41 =	vadd.f32 s14, v36;
	s15 =	smul.f32 $2.000000030e-01, s23;
	v46 =	vadd.f32 s10, v46  }
0x145: {  	s24 =	spop (v2sf);
	vm10 =	vge.f32 v27, s9;
	v49 =	vadd.f32 s22, v37;
	v37 =	vmul.f32 v61, v59  }
0x146: {  	s25 =	spop (v2sf);
	v38 =	vnsel vm10, $0x7F61B1E6, v53;
	vm12 =	vge.f32 v41, s12;
	vm15 =	vge.f32 v31, s15  }
0x147: {  	v35 =	vld [tilespmem:$0x1FFF0];
	s26 =	spop (v2sf);
	vm5 =	vge.f32 v11, s15;
	vm11 =	vge.f32 v46, s9;
	v27 =	vnsel vm12, $0x7F61B1E6, v54  }
0x148: {  	v31 =	vld [tilespmem:$0x1FFE0];
	v54 =	vbroadcast v32, $0xF;
	v58 =	vnsel vm15, $0x7F61B1E6, v26;
	vm13 =	vge.f32 v49, s12;
	s29 =	spop (v2sf)  }
0x149: {  	v19 =	vnsel vm5, $0x7F61B1E6, v19;
	v46 =	vnsel vm11, $0x7F61B1E6, v57;
	v36 =	vnsel vm13, $0x7F61B1E6, v42;
	s30 =	spop (v2sf);
	s9 =	sadd.f32 s25, s29  }
0x14a: {  	v38 =	vmin.f32 v38, v46;
	v30 =	vadd.f32 v54, v30;
	v27 =	vmin.f32 v27, v36;
	s11 =	sadd.f32 s26, s30  }
0x14b: {  	v19 =	vmin.f32 v58, v19;
	v25 =	vmin.f32 v25, v38;
	s31 =	spop (v2sf);
	v21 =	vmin.f32 v21, v27  }
0x14c: {  	v57, _, _ =	vpop (xrf2);
	v36 =	vmul.f32 v33, v35;
	vm4 =	vge.f32 v30, s28;
	v13 =	vadd.f32 s9, v13;
	s13 =	sadd.f32 s11, s31;
	(xrf0) =	vmin.scan.msk.f32 $0xffff, v21  }
0x14d: {  	v61, _, _ =	vpop (xrf2);
	s9 =	sadd.f32 s9, s24;
	v32 =	vmul.f32 v33, v31;
	v62 =	vadd.f32 s11, v34;
	v34 =	vadd.f32 v39, v45;
	(xrf0) =	vmin.scan.msk.f32 $0xffff, v25  }
0x14e: {  	v24 =	vnsel vm4, $0x7F61B1E6, v24;
	v39 =	vadd.f32 v47, v23;
	v26 =	vadd.f32 s13, v61  }
0x14f: {  	v24 =	vmin.f32 v56, v24;
	v63 =	vadd.f32 s9, v57;
	vm6 =	vge.f32 v13, s15  }
0x150: {  	vm7 =	vge.f32 v62, s28;
	v17 =	vnsel vm6, $0x7F61B1E6, v17;
	vm8 =	vge.f32 v26, s28  }
0x151: {  	vm9 =	vge.f32 v63, s15;
	v11 =	vnsel vm7, $0x7F61B1E6, v22;
	v27 =	vnsel vm8, $0x7F61B1E6, v48  }
0x152: {  	v62 =	vadd.f32 v37, v10;
	v29 =	vnsel vm9, $0x7F61B1E6, v28;
	v11 =	vmin.f32 v11, v27;
	v30, _, _ =	vpop (xrf0)  }
0x153: {  	v17 =	vmin.f32 v17, v29;
	v11 =	vmin.f32 v24, v11;
	v13 =	vbroadcast v30, $0xF;
	v38, _, _ =	vpop (xrf0)  }
0x154: {  	v63 =	vadd.f32 v32, v62;
	v17 =	vmin.f32 v19, v17;
	(xrf0) =	vmin.scan.msk.f32 $0xffff, v11;
	v40 =	vbroadcast v38, $0xF  }
0x155: {  	vm10 =	vge.f32 v12, v13;
	vm12 =	vge.f32 v16, v13;
	vm13 =	vge.f32 v18, v13  }
0x156: {  	(xrf0) =	vmin.scan.msk.f32 $0xffff, v17;
	vm11 =	vge.f32 v15, v13;
	v42 =	vsel vm12, $0x3F800000, v1;
	v44 =	vsel vm13, $0x3F800000, v1  }
0x157: {  	vm14 =	vge.f32 v6, v40;
	vm15 =	vge.f32 v7, v40;
	vm6 =	vge.f32 v4, v40  }
0x158: {  	vm7 =	vge.f32 v2, v40;
	v49 =	vsel vm10, $0x3F800000, v1;
	v2 =	vsel vm6, $0x3F800000, v1  }
0x159: {  	v47 =	vsel vm14, $0x3F800000, v1;
	v12 =	vsel vm7, $0x3F800000, v1;
	v2 =	vadd.f32 v2, v5  }
0x15a: {  	v45 =	vsel vm15, $0x3F800000, v1;
	v7 =	vadd.f32 v47, v9;
	v8 =	vadd.f32 v12, v8;
	v46, _, _ =	vpop (xrf0)  }
0x15b: {  	v4 =	vadd.f32 v45, v14;
	v2 =	vadd.f32 v42, v2;
	v6 =	vbroadcast v46, $0xF  }
0x15c: {  	v41 =	vsel vm11, $0x3F800000, v1;
	v7 =	vadd.f32 v44, v7;
	v8 =	vadd.f32 v49, v8;
	v48, _, _ =	vpop (xrf0)  }
0x15d: {  	v4 =	vadd.f32 v41, v4;
	v5 =	vbroadcast v48, $0xF;
	vm9 =	vge.f32 v52, v6  }
0x15e: {  	vm11 =	vge.f32 v35, v6;
	vm13 =	vge.f32 v50, v6;
	vm15 =	vge.f32 v31, v6  }
0x15f: {  	vm8 =	vge.f32 v60, v5;
	vm10 =	vge.f32 v51, v5;
	v54 =	vsel vm9, $0x3F800000, v1  }
0x160: {  	vm12 =	vge.f32 v43, v5;
	v56 =	vsel vm11, $0x3F800000, v1;
	v53 =	vsel vm8, $0x3F800000, v1  }
0x161: {  	[tilespmem:$0x4300] =	vst v3;
	vm14 =	vge.f32 v59, v5;
	v55 =	vsel vm10, $0x3F800000, v1;
	v7 =	vadd.f32 v53, v7  }
0x162: {  	[tilespmem:$0x4200] =	vst v34;
	v59 =	vadd.f32 v36, v39;
	v57 =	vsel vm12, $0x3F800000, v1;
	v8 =	vadd.f32 v55, v8  }
0x163: {  	[tilespmem:$0x4380] =	vst v63;
	v61 =	vsel vm14, $0x3F800000, v1;
	v4 =	vadd.f32 v57, v4;
	v7 =	vadd.f32 v54, v7  }
0x164: {  	v60 =	vsel vm13, $0x3F800000, v1;
	v2 =	vadd.f32 v61, v2;
	[tilespmem:$0x4280] =	vst v59;
	v58 =	vadd.f32 v56, v8  }
0x165: {  	v6 =	vsel vm15, $0x3F800000, v1;
	v4 =	vadd.f32 v60, v4;
	[tilespmem:$0x4000] =	vst v7  }
0x166: {  	s8 =	sadd.s32 $0x1, s8;
	v2 =	vadd.f32 v6, v2;
	[tilespmem:$0x4080] =	vst v58  }
0x167: {  	p0 =	sne.s32 s8, s5;
	[tilespmem:$0x4100] =	vst v4  }
.Ltmp1:
0x168: {  	[tilespmem:$0x4180] =	vst v2;
	(pc) =	sbr.rel @p0 .LBB2_1-.Ltmp1, $4  }
0x169: {  	[hbm4b:s4+s2] =	stream.linear.scatter [tilespmem:s7], [sflag:$0x1], $0x400, $0x38;
	[tilespmem:$0x4400] =	vst v63  }
0x16a: {  	_ =	swait.ge [sflag:s6], $0x400  }
0x16b: {  	[sflag:s6] =	ssyncset.done $0x0  }
0x16c: {  	[sflag:s6] =	ssyncadd.s32 $0xFFFFFC00  }
0x16d: {  	_ =	sfence.sel $0x180000  }
0x16e: {  	[bflag:$0x0] =	sbarrier.arrive $0xFFFF  }
0x16f: {  	p0 =	sne.s32 s1, $0x0;
	_ =	strace $0x90000047  }
0x170: {  	s0 =	sadd.s32 @!p0 $0x100000, s0;
	[bflag:$0x2] =	sbarrier.arrive $0xFFFF  }
0x171: {  	[sflag:s0] =	ssyncadd.tile.s32 @!p0 $0x1;
	_ =	shalt  }
.Lfunc_end2:
_tile_overlayer_lowered:
.L_overlay_start_2:
0x172: {  	(tag) =	ssettag $0x2  }
0x173: {  	s0 =	rddreg [dreg:$0x0];
	s2 =	stileid.u32  }
0x174: {  	s1 =	rddreg [dreg:$0x1];
	p0 =	sne.s32 s2, $0x0  }
0x175: {  	s3 =	rddreg [dreg:$0x2];
	[bflag:$0x3] =	sbarrier.arrive $0xFFFF;
	s2 =	simm.s32 @!p0 $0x1C01  }
0x176: {  	[timem:s3], [sflag:s2] =	dma.local @!p0 [hbm:s0], s1  }
0x177: {  	s0 =	simm.s32 @!p0 $0x1  }
0x178: {  	_ =	swait.ge @!p0 [sflag:s0], s1  }
0x179: {  	s1 =	ssub.s32 @!p0 $0x0, s1;
	[sflag:s0] =	ssyncset.done @!p0 $0x0  }
0x17a: {  	[sflag:s0] =	ssyncadd.s32 @!p0 s1  }
0x17b: {  	[bflag:$0x3] =	sbarrier.arrive $0xFFFF  }
0x17c: {  	_ =	shalt  }

</sc_bundles>
